<compile_context>
chip_gen: v7x
topology: tpu7x:2x2x1
jax: 0.10.2.dev20260603
libtpu: 0.0.44.dev20260713+nightly
codegen_flags: <defaults>
</compile_context>

<pallas_src>
import functools

import jax
import jax.numpy as jnp
from jax import lax
from jax.experimental import pallas as pl
from jax.experimental.pallas import tpu as pltpu
from jax.experimental.pallas import tpu_sc as plsc

N = 16384
IN_PLANES = 256
OUT_PLANES = 512
STRIDE = 4
NSAMPLE = 16
EPS = 1e-5
M = N // STRIDE
R, C = 128, 128
MR = 32
D_PAD = 384
NW = 32
QPW = M // NW
GPW = (M * NSAMPLE) // NW
GCHUNK = 256
BM = 128
GRID4 = M // BM


def _fps_kernel(xs_ref, ys_ref, zs_ref, qx_ref, qy_ref, qz_ref, pn_ref):
    iota = (lax.broadcasted_iota(jnp.int32, (R, C), 0) * C
            + lax.broadcasted_iota(jnp.int32, (R, C), 1))
    miota = (lax.broadcasted_iota(jnp.int32, (MR, C), 0) * C
             + lax.broadcasted_iota(jnp.int32, (MR, C), 1))
    xs = xs_ref[...]
    ys = ys_ref[...]
    zs = zs_ref[...]
    pn_ref[...] = xs * xs + ys * ys + zs * zs

    def body(i, state):
        dists, cur, qx, qy, qz = state
        m2 = iota == cur
        lx = jnp.sum(jnp.where(m2, xs, 0.0))
        ly = jnp.sum(jnp.where(m2, ys, 0.0))
        lz = jnp.sum(jnp.where(m2, zs, 0.0))
        mq = miota == (i - 1)
        qx = jnp.where(mq, lx, qx)
        qy = jnp.where(mq, ly, qy)
        qz = jnp.where(mq, lz, qz)
        dx = xs - lx
        dy = ys - ly
        dz = zs - lz
        d = dx * dx + dy * dy + dz * dz
        dists = jnp.minimum(dists, d)
        mx = jnp.max(dists)
        cand = jnp.where(dists == mx, iota, jnp.int32(N))
        cur = jnp.min(cand)
        return (dists, cur, qx, qy, qz)

    dists0 = jnp.full((R, C), jnp.inf, dtype=jnp.float32)
    q0 = jnp.zeros((MR, C), dtype=jnp.float32)
    _, cur, qx, qy, qz = lax.fori_loop(
        1, M, body, (dists0, jnp.int32(0), q0, q0, q0))
    m2 = iota == cur
    lx = jnp.sum(jnp.where(m2, xs, 0.0))
    ly = jnp.sum(jnp.where(m2, ys, 0.0))
    lz = jnp.sum(jnp.where(m2, zs, 0.0))
    mq = miota == (M - 1)
    qx_ref[...] = jnp.where(mq, lx, qx)
    qy_ref[...] = jnp.where(mq, ly, qy)
    qz_ref[...] = jnp.where(mq, lz, qz)


def _run_fps(point):
    xs = point[:, 0].reshape(R, C)
    ys = point[:, 1].reshape(R, C)
    zs = point[:, 2].reshape(R, C)
    qx, qy, qz, pn = pl.pallas_call(
        _fps_kernel,
        out_shape=[jax.ShapeDtypeStruct((MR, C), jnp.float32)] * 3
        + [jax.ShapeDtypeStruct((R, C), jnp.float32)],
    )(xs, ys, zs)
    return qx.reshape(M), qy.reshape(M), qz.reshape(M), pn.reshape(N)


def _lane_splat(vec, lane_idx):
    idx = jnp.broadcast_to(jnp.int32(lane_idx), (16,))
    dn = lax.GatherDimensionNumbers(
        offset_dims=(), collapsed_slice_dims=(0,), start_index_map=(0,))
    return lax.gather(vec, idx[:, None], dn, slice_sizes=(1,),
                      mode=lax.GatherScatterMode.PROMISE_IN_BOUNDS)
def _d2_kernel(q8_ref, p8t_ref, qn_ref, pn_ref, out_ref):
    dot = jnp.dot(q8_ref[...], p8t_ref[...],
                  preferred_element_type=jnp.float32)
    out_ref[...] = qn_ref[...] - 2.0 * dot + pn_ref[...]


def _run_d2(q8, p8t, qn, pn):
    bq, bp = 512, 2048
    return pl.pallas_call(
        _d2_kernel,
        grid=(M // bq, N // bp),
        in_specs=[
            pl.BlockSpec((bq, 8), lambda i, j: (i, 0)),
            pl.BlockSpec((8, bp), lambda i, j: (0, j)),
            pl.BlockSpec((bq, 1), lambda i, j: (i, 0)),
            pl.BlockSpec((1, bp), lambda i, j: (0, j)),
        ],
        out_specs=pl.BlockSpec((bq, bp), lambda i, j: (i, j)),
        out_shape=jax.ShapeDtypeStruct((M, N), jnp.float32),
    )(q8, p8t, qn, pn)


def _knn_body(d2_h, out_h, buf0_v, buf1_v, out_v, sem0, sem1):
    wid = lax.axis_index("s") * 2 + lax.axis_index("c")
    base = wid * QPW
    lane = lax.iota(jnp.int32, 16)
    bufs = (buf0_v, buf1_v)
    sems = (sem0, sem1)
    pltpu.async_copy(d2_h.at[base], buf0_v, sem0)

    def scan_row(buf):
        def scan_chunk(j, carry):
            topv, topi, tv = carry
            off = j * 16
            d = buf[pl.ds(off, 16)]
            hit = jnp.any(d < tv)

            def merge(args):
                topv, topi, _ = args
                av, ai = plsc.sort_key_val(d, off + lane)
                sv = jnp.flip(av)
                si = jnp.flip(ai)
                take = sv < topv
                mv = jnp.where(take, sv, topv)
                mi = jnp.where(take, si, topi)
                nv, ni = plsc.sort_key_val(mv, mi)
                return nv, ni, _lane_splat(nv, 15)

            return lax.cond(hit, merge, lambda a: a, (topv, topi, tv))

        topv0 = jnp.full((16,), jnp.inf, dtype=jnp.float32)
        topi0 = jnp.zeros((16,), dtype=jnp.int32)
        _, topi, _ = lax.fori_loop(0, N // 16, scan_chunk,
                                   (topv0, topi0, topv0))
        return topi

    def per_pair(k, _):
        for b in range(2):
            q = 2 * k + b
            pltpu.make_async_copy(d2_h.at[base], bufs[b], sems[b]).wait()
            nxt = jnp.minimum(base + q + 1, M - 1)
            pltpu.async_copy(d2_h.at[nxt], bufs[1 - b], sems[1 - b])
            out_v[pl.ds(q * NSAMPLE, NSAMPLE)] = scan_row(bufs[b])
        return 0

    lax.fori_loop(0, QPW // 2, per_pair, 0)
    pltpu.make_async_copy(d2_h.at[base], buf0_v, sem0).wait()
    pltpu.sync_copy(out_v, out_h.at[pl.ds(base * NSAMPLE, QPW * NSAMPLE)])


def _run_knn(d2):
    mesh = plsc.VectorSubcoreMesh(core_axis_name="c", subcore_axis_name="s")
    knn = functools.partial(
        pl.kernel, mesh=mesh,
        compiler_params=pltpu.CompilerParams(needs_layout_passes=False),
        out_type=jax.ShapeDtypeStruct((M * NSAMPLE,), jnp.int32),
        scratch_types=[
            pltpu.VMEM((N,), jnp.float32),
            pltpu.VMEM((N,), jnp.float32),
            pltpu.VMEM((QPW * NSAMPLE,), jnp.int32),
            pltpu.SemaphoreType.DMA,
            pltpu.SemaphoreType.DMA,
        ],
    )(_knn_body)
    return knn(d2)


def _gather_body(tab_h, idx_h, out_h, idx_v, buf_v, sem):
    wid = lax.axis_index("s") * 2 + lax.axis_index("c")
    base = wid * GPW
    pltpu.sync_copy(idx_h.at[pl.ds(base, GPW)], idx_v)

    def chunk(c, _):
        pltpu.async_copy(
            tab_h.at[idx_v.at[pl.ds(c * GCHUNK, GCHUNK)]], buf_v, sem).wait()
        pltpu.sync_copy(buf_v, out_h.at[pl.ds(base + c * GCHUNK, GCHUNK)])
        return 0

    lax.fori_loop(0, GPW // GCHUNK, chunk, 0)


def _run_gather(tab, flat_idx):
    mesh = plsc.VectorSubcoreMesh(core_axis_name="c", subcore_axis_name="s")
    g = functools.partial(
        pl.kernel, mesh=mesh,
        compiler_params=pltpu.CompilerParams(needs_layout_passes=False),
        out_type=jax.ShapeDtypeStruct((M * NSAMPLE, D_PAD), jnp.float32),
        scratch_types=[
            pltpu.VMEM((GPW,), jnp.int32),
            pltpu.VMEM((GCHUNK, D_PAD), jnp.float32),
            pltpu.SemaphoreType.DMA,
        ],
    )(_gather_body)
    return g(tab, flat_idx)


def _mlp_kernel(g_ref, np8_ref, wp_ref, wx_ref,
                maxh_ref, minh_ref, ssum_ref, ssq_ref):
    i = pl.program_id(0)
    g = g_ref[...]
    h2 = jnp.dot(g, wp_ref[...], preferred_element_type=jnp.float32)
    qw = jnp.dot(np8_ref[...], wx_ref[...],
                 preferred_element_type=jnp.float32)
    h3 = h2.reshape(BM, NSAMPLE, OUT_PLANES) - qw[:, None, :]
    maxh_ref[...] = jnp.max(h3, axis=1)
    minh_ref[...] = jnp.min(h3, axis=1)
    flat = h3.reshape(BM * NSAMPLE // 8, 8, OUT_PLANES)
    psum = jnp.sum(flat, axis=0)
    psq = jnp.sum(flat * flat, axis=0)

    @pl.when(i == 0)
    def _():
        ssum_ref[...] = jnp.zeros_like(ssum_ref)
        ssq_ref[...] = jnp.zeros_like(ssq_ref)

    ssum_ref[...] += psum
    ssq_ref[...] += psq


def _run_mlp(gathered, np8, wp, wx8):
    return pl.pallas_call(
        _mlp_kernel,
        grid=(GRID4,),
        in_specs=[
            pl.BlockSpec((BM * NSAMPLE, D_PAD), lambda i: (i, 0)),
            pl.BlockSpec((BM, 8), lambda i: (i, 0)),
            pl.BlockSpec((D_PAD, OUT_PLANES), lambda i: (0, 0)),
            pl.BlockSpec((8, OUT_PLANES), lambda i: (0, 0)),
        ],
        out_specs=[
            pl.BlockSpec((BM, OUT_PLANES), lambda i: (i, 0)),
            pl.BlockSpec((BM, OUT_PLANES), lambda i: (i, 0)),
            pl.BlockSpec((8, OUT_PLANES), lambda i: (0, 0)),
            pl.BlockSpec((8, OUT_PLANES), lambda i: (0, 0)),
        ],
        out_shape=[
            jax.ShapeDtypeStruct((M, OUT_PLANES), jnp.float32),
            jax.ShapeDtypeStruct((M, OUT_PLANES), jnp.float32),
            jax.ShapeDtypeStruct((8, OUT_PLANES), jnp.float32),
            jax.ShapeDtypeStruct((8, OUT_PLANES), jnp.float32),
        ],
    )(gathered, np8, wp, wx8)


def _bn_kernel(maxh_ref, minh_ref, ssum_ref, ssq_ref, gam_ref, bet_ref,
               out_ref):
    cnt = float(M * NSAMPLE)
    mean = jnp.sum(ssum_ref[...], axis=0, keepdims=True) * (1.0 / cnt)
    ex2 = jnp.sum(ssq_ref[...], axis=0, keepdims=True) * (1.0 / cnt)
    var = ex2 - mean * mean
    scale = 1.0 / jnp.sqrt(var + EPS)
    gam = gam_ref[...]
    a = gam * scale
    b = bet_ref[...] - mean * a
    vmax = jnp.maximum(maxh_ref[...] * a + b, 0.0)
    vmin = jnp.maximum(minh_ref[...] * a + b, 0.0)
    out_ref[...] = jnp.where(gam >= 0.0, vmax, vmin)


def _run_bn(maxh, minh, ssum, ssq, gamma2, beta2):
    return pl.pallas_call(
        _bn_kernel,
        grid=(GRID4,),
        in_specs=[
            pl.BlockSpec((BM, OUT_PLANES), lambda i: (i, 0)),
            pl.BlockSpec((BM, OUT_PLANES), lambda i: (i, 0)),
            pl.BlockSpec((8, OUT_PLANES), lambda i: (0, 0)),
            pl.BlockSpec((8, OUT_PLANES), lambda i: (0, 0)),
            pl.BlockSpec((1, OUT_PLANES), lambda i: (0, 0)),
            pl.BlockSpec((1, OUT_PLANES), lambda i: (0, 0)),
        ],
        out_specs=pl.BlockSpec((BM, OUT_PLANES), lambda i: (i, 0)),
        out_shape=jax.ShapeDtypeStruct((M, OUT_PLANES), jnp.float32),
    )(maxh, minh, ssum, ssq, gamma2, beta2)


def kernel(point, feat, row_splits, W, gamma, beta):
    qx, qy, qz, _ = _run_fps(point)
    new_point = jnp.stack([qx, qy, qz], axis=-1)
    q8 = jnp.concatenate([new_point, jnp.zeros((M, 5), jnp.float32)], axis=1)
    p8t = jnp.concatenate([point.T, jnp.zeros((5, N), jnp.float32)], axis=0)
    qn = jnp.sum(new_point * new_point, axis=1, keepdims=True)
    pn2 = jnp.sum(point * point, axis=1)[None, :]
    d2 = _run_d2(q8, p8t, qn, pn2)
    flat_idx = _run_knn(d2)

    tab = jnp.concatenate(
        [point, feat, jnp.zeros((N, D_PAD - 3 - IN_PLANES), jnp.float32)],
        axis=1)
    gathered = _run_gather(tab, flat_idx)

    wp = jnp.concatenate(
        [W.T, jnp.zeros((D_PAD - 3 - IN_PLANES, OUT_PLANES), jnp.float32)],
        axis=0)
    wx8 = jnp.concatenate([W.T[:3], jnp.zeros((5, OUT_PLANES), jnp.float32)],
                          axis=0)
    maxh, minh, ssum, ssq = _run_mlp(gathered, q8, wp, wx8)
    out_feat = _run_bn(maxh, minh, ssum, ssq,
                       gamma.reshape(1, OUT_PLANES), beta.reshape(1, OUT_PLANES))
    new_row_splits = jnp.array([0, M], dtype=row_splits.dtype)
    return (new_point, out_feat, new_row_splits)

# --- scband reference (transcript-rebuilt; emitter-appended) ---
"""Pipeline reference for scband-transition-down-65042984730710 (READ-ONLY COPY).

The authoritative reference and input builder live on the scoring server;
editing this copy changes nothing except your own understanding.
"""

import jax, jax.numpy as jnp
import numpy as np

N = 16384
IN_PLANES = 256
OUT_PLANES = 512
STRIDE = 4
NSAMPLE = 16
EPS = 1e-5


def furthest_point_sample(points, m):
    n = points.shape[0]

    def body(i, state):
        dists, idxs = state
        last = idxs[i - 1]
        d = jnp.sum((points - points[last]) ** 2, axis=1)
        dists = jnp.minimum(dists, d)
        nxt = jnp.argmax(dists).astype(jnp.int32)
        idxs = idxs.at[i].set(nxt)
        return (dists, idxs)

    dists0 = jnp.full((n,), jnp.inf, dtype=jnp.float32)
    idxs0 = jnp.zeros((m,), dtype=jnp.int32)
    _, idxs = jax.lax.fori_loop(1, m, body, (dists0, idxs0))
    return idxs


def setup_inputs(seed: int = 0):
    key = jax.random.key(seed)
    k1, k2, k3 = jax.random.split(key, 3)
    point = jax.random.normal(k1, (N, 3), dtype=jnp.float32)
    feat = jax.random.normal(k2, (N, IN_PLANES), dtype=jnp.float32)
    row_splits = jnp.array([0, N], dtype=jnp.int32)
    W = jax.random.normal(k3, (OUT_PLANES, 3 + IN_PLANES), dtype=jnp.float32) * (1.0 / np.sqrt(3 + IN_PLANES))
    gamma = jnp.ones((OUT_PLANES,), dtype=jnp.float32)
    beta = jnp.zeros((OUT_PLANES,), dtype=jnp.float32)
    return {"point": point, "feat": feat, "row_splits": row_splits, "W": W, "gamma": gamma, "beta": beta}


def _forward(point, feat, W, gamma, beta):
    m = N // STRIDE
    pts_sg = jax.lax.stop_gradient(point)
    fps_idx = furthest_point_sample(pts_sg, m)
    new_point = point[fps_idx]
    q = jax.lax.stop_gradient(new_point)
    d2 = jnp.sum(q * q, axis=1, keepdims=True) - 2.0 * (q @ pts_sg.T) + jnp.sum(pts_sg * pts_sg, axis=1)[None, :]
    _, knn_idx = jax.lax.top_k(-d2, NSAMPLE)
    grouped_xyz = point[knn_idx] - new_point[:, None, :]
    grouped_feat = feat[knn_idx]
    g = jnp.concatenate([grouped_xyz, grouped_feat], axis=-1)
    h = jnp.einsum('mnc,oc->mno', g, W)
    h = jnp.transpose(h, (0, 2, 1))
    mean = jnp.mean(h, axis=(0, 2))
    var = jnp.var(h, axis=(0, 2))
    h = (h - mean[None, :, None]) / jnp.sqrt(var[None, :, None] + EPS)
    h = h * gamma[None, :, None] + beta[None, :, None]
    h = jnp.maximum(h, 0.0)
    out_feat = jnp.max(h, axis=2)
    return new_point, out_feat


def reference(point, feat, row_splits, W, gamma, beta):
    m = N // STRIDE
    new_point, out_feat = _forward(point, feat, W, gamma, beta)
    new_row_splits = jnp.array([0, m], dtype=row_splits.dtype)
    return (new_point, out_feat, new_row_splits)

if __name__ == "__main__":
    import jax
    _d = setup_inputs()
    print(jax.jit(kernel)(*tuple(_d.values())))

</pallas_src>

<mosaic_0001>
#map = affine_map<(d0, d1) -> (0, 0)>
#map1 = affine_map<(d0, d1) -> (0)>
module attributes {stable_mosaic.version = 14 : i64} {
  func.func @_gather_body(%arg0: i32, %arg1: i32, %arg2: memref<16384x384xf32, #tpu.memory_space<hbm>>, %arg3: memref<65536xi32, #tpu.memory_space<hbm>>, %arg4: memref<65536x384xf32, #tpu.memory_space<hbm>>, %arg5: memref<2048xi32, #tpu.memory_space<vmem>>, %arg6: memref<256x384xf32, #tpu.memory_space<vmem>>, %arg7: memref<!tpu.dma_semaphore, #tpu.memory_space<semaphore_mem>>) attributes {dimension_semantics = [#tpu.dimension_semantics<core_parallel>, #tpu.dimension_semantics<subcore_parallel>], iteration_bounds = array<i64: 2, 16>, scalar_prefetch = 0 : i64, scratch_operands = 3 : i64, tpu.core_type = #tpu.core_type<sc_vector_subcore>, window_params = [{transform_indices = #map}, {transform_indices = #map1}, {transform_indices = #map}]} {
    %mul3A = arith.constant 2 : i32
    %mul3A_0 = arith.muli %arg1, %mul3A : i32
    %add3A = arith.addi %mul3A_0, %arg0 : i32
    %mul3A_1 = arith.constant 2048 : i32
    %mul3A_2 = arith.muli %add3A, %mul3A_1 : i32
    "tpu.region"() ({
      %run_scoped3A = tpu.sem_alloc : memref<!tpu.dma_semaphore, #tpu.memory_space<semaphore_mem>>
      %dma_start3A = tpu.memref_slice %arg3[%mul3A_2] : memref<65536xi32, #tpu.memory_space<hbm>> -> memref<2048xi32, #tpu.memory_space<hbm>>
      %dma_start3A_9 = tpu.memref_slice %arg3[%mul3A_2] : memref<65536xi32, #tpu.memory_space<hbm>> -> memref<2048xi32, #tpu.memory_space<hbm>>
      tpu.enqueue_dma source(%dma_start3A_9 : memref<2048xi32, #tpu.memory_space<hbm>>) target(%arg5 : memref<2048xi32, #tpu.memory_space<vmem>>) target_semaphore(%run_scoped3A : memref<!tpu.dma_semaphore, #tpu.memory_space<semaphore_mem>>)
      %dma_wait3A = tpu.memref_slice %arg3[%mul3A_2] : memref<65536xi32, #tpu.memory_space<hbm>> -> memref<2048xi32, #tpu.memory_space<hbm>>
      %dma_wait3A_10 = tpu.memref_slice %arg3[%mul3A_2] : memref<65536xi32, #tpu.memory_space<hbm>> -> memref<2048xi32, #tpu.memory_space<hbm>>
      tpu.wait_dma2 semaphore(%run_scoped3A : memref<!tpu.dma_semaphore, #tpu.memory_space<semaphore_mem>>) src(%dma_wait3A_10 : memref<2048xi32, #tpu.memory_space<hbm>>) dst(%arg5 : memref<2048xi32, #tpu.memory_space<vmem>>)
      tpu.yield
    }) : () -> ()
    %scan3A = arith.constant 0 : i32
    %scan3A_3 = arith.constant 0 : i32
    %scan3A_4 = arith.constant 8 : i32
    %scan3A_5 = arith.addi %scan3A_3, %scan3A_4 : i32
    %scan3A_6 = arith.constant 1 : i32
    %scan3A_7 = scf.for %scan3A_9 = %scan3A_3 to %scan3A_5 step %scan3A_6 iter_args(%scan3A_10 = %scan3A) -> (i32)  : i32 {
      %mul3A_11 = arith.constant 256 : i32
      %mul3A_12 = arith.muli %scan3A_9, %mul3A_11 : i32
      %dma_start3A = tpu.memref_slice %arg5[%mul3A_12] : memref<2048xi32, #tpu.memory_space<vmem>> -> memref<256xi32, #tpu.memory_space<vmem>>
      %dma_start3A_13 = arith.constant 0 : i32
      %dma_start3A_14 = arith.constant 0 : i32
      %dma_start3A_15 = tpu.memref_slice %arg2[%dma_start3A_13, %dma_start3A_14] : memref<16384x384xf32, #tpu.memory_space<hbm>> -> memref<16384x384xf32, #tpu.memory_space<hbm>>
      tpu.enqueue_indirect_dma source(%dma_start3A_15 : memref<16384x384xf32, #tpu.memory_space<hbm>>) target(%arg6 : memref<256x384xf32, #tpu.memory_space<vmem>>) offsets(%dma_start3A : memref<256xi32, #tpu.memory_space<vmem>>) semaphore(%arg7 : memref<!tpu.dma_semaphore, #tpu.memory_space<semaphore_mem>>)
      %dma_wait3A = tpu.memref_slice %arg5[%mul3A_12] : memref<2048xi32, #tpu.memory_space<vmem>> -> memref<256xi32, #tpu.memory_space<vmem>>
      %dma_wait3A_16 = arith.constant 0 : i32
      %dma_wait3A_17 = arith.constant 0 : i32
      %dma_wait3A_18 = tpu.memref_slice %arg2[%dma_wait3A_16, %dma_wait3A_17] : memref<16384x384xf32, #tpu.memory_space<hbm>> -> memref<16384x384xf32, #tpu.memory_space<hbm>>
      tpu.wait_indirect_dma semaphore(%arg7 : memref<!tpu.dma_semaphore, #tpu.memory_space<semaphore_mem>>) src(%dma_wait3A_18 : memref<16384x384xf32, #tpu.memory_space<hbm>>) dst(%arg6 : memref<256x384xf32, #tpu.memory_space<vmem>>)
      %mul3A_19 = arith.constant 256 : i32
      %mul3A_20 = arith.muli %scan3A_9, %mul3A_19 : i32
      %add3A_21 = arith.addi %mul3A_2, %mul3A_20 : i32
      "tpu.region"() ({
        %run_scoped3A = tpu.sem_alloc : memref<!tpu.dma_semaphore, #tpu.memory_space<semaphore_mem>>
        %dma_start3A_23 = arith.constant 0 : i32
        %dma_start3A_24 = tpu.memref_slice %arg4[%add3A_21, %dma_start3A_23] : memref<65536x384xf32, #tpu.memory_space<hbm>> -> memref<256x384xf32, #tpu.memory_space<hbm>>
        %dma_start3A_25 = arith.constant 0 : i32
        %dma_start3A_26 = tpu.memref_slice %arg4[%add3A_21, %dma_start3A_25] : memref<65536x384xf32, #tpu.memory_space<hbm>> -> memref<256x384xf32, #tpu.memory_space<hbm>>
        tpu.enqueue_dma source(%arg6 : memref<256x384xf32, #tpu.memory_space<vmem>>) target(%dma_start3A_26 : memref<256x384xf32, #tpu.memory_space<hbm>>) target_semaphore(%run_scoped3A : memref<!tpu.dma_semaphore, #tpu.memory_space<semaphore_mem>>)
        %dma_wait3A_27 = arith.constant 0 : i32
        %dma_wait3A_28 = tpu.memref_slice %arg4[%add3A_21, %dma_wait3A_27] : memref<65536x384xf32, #tpu.memory_space<hbm>> -> memref<256x384xf32, #tpu.memory_space<hbm>>
        %dma_wait3A_29 = arith.constant 0 : i32
        %dma_wait3A_30 = tpu.memref_slice %arg4[%add3A_21, %dma_wait3A_29] : memref<65536x384xf32, #tpu.memory_space<hbm>> -> memref<256x384xf32, #tpu.memory_space<hbm>>
        tpu.wait_dma2 semaphore(%run_scoped3A : memref<!tpu.dma_semaphore, #tpu.memory_space<semaphore_mem>>) src(%arg6 : memref<256x384xf32, #tpu.memory_space<vmem>>) dst(%dma_wait3A_30 : memref<256x384xf32, #tpu.memory_space<hbm>>)
        tpu.yield
      }) : () -> ()
      %scan3A_22 = arith.constant 0 : i32
      scf.yield %scan3A_22 : i32
    }
    %scan3A_8 = arith.constant 8 : i32
    return
  }
}

#map = affine_map<(d0, d1) -> (0, 0)>
#map1 = affine_map<(d0, d1) -> (0)>
module attributes {stable_mosaic.version = 14 : i64} {
  func.func @_knn_body(%arg0: i32, %arg1: i32, %arg2: memref<4096x16384xf32, #tpu.memory_space<hbm>>, %arg3: memref<65536xi32, #tpu.memory_space<hbm>>, %arg4: memref<16384xf32, #tpu.memory_space<vmem>>, %arg5: memref<16384xf32, #tpu.memory_space<vmem>>, %arg6: memref<2048xi32, #tpu.memory_space<vmem>>, %arg7: memref<!tpu.dma_semaphore, #tpu.memory_space<semaphore_mem>>, %arg8: memref<!tpu.dma_semaphore, #tpu.memory_space<semaphore_mem>>) attributes {dimension_semantics = [#tpu.dimension_semantics<core_parallel>, #tpu.dimension_semantics<subcore_parallel>], iteration_bounds = array<i64: 2, 16>, scalar_prefetch = 0 : i64, scratch_operands = 5 : i64, tpu.core_type = #tpu.core_type<sc_vector_subcore>, window_params = [{transform_indices = #map}, {transform_indices = #map1}]} {
    %mul3A = arith.constant 2 : i32
    %mul3A_0 = arith.muli %arg1, %mul3A : i32
    %add3A = arith.addi %mul3A_0, %arg0 : i32
    %mul3A_1 = arith.constant 128 : i32
    %mul3A_2 = arith.muli %add3A, %mul3A_1 : i32
    %iota3A = tpu.iota {dimensions = array<i32: 0>} : vector<16xi32>
    %dma_start3A = arith.constant 0 : i32
    %dma_start3A_3 = tpu.memref_slice %arg2[%mul3A_2, %dma_start3A] : memref<4096x16384xf32, #tpu.memory_space<hbm>> -> memref<1x16384xf32, #tpu.memory_space<hbm>>
    %dma_start3A_4 = tpu.memref_squeeze %dma_start3A_3 : memref<1x16384xf32, #tpu.memory_space<hbm>> -> memref<16384xf32, #tpu.memory_space<hbm>>
    %dma_start3A_5 = arith.constant 0 : i32
    %dma_start3A_6 = tpu.memref_slice %arg2[%mul3A_2, %dma_start3A_5] : memref<4096x16384xf32, #tpu.memory_space<hbm>> -> memref<1x16384xf32, #tpu.memory_space<hbm>>
    %dma_start3A_7 = tpu.memref_squeeze %dma_start3A_6 : memref<1x16384xf32, #tpu.memory_space<hbm>> -> memref<16384xf32, #tpu.memory_space<hbm>>
    tpu.enqueue_dma source(%dma_start3A_7 : memref<16384xf32, #tpu.memory_space<hbm>>) target(%arg4 : memref<16384xf32, #tpu.memory_space<vmem>>) target_semaphore(%arg7 : memref<!tpu.dma_semaphore, #tpu.memory_space<semaphore_mem>>)
    %scan3A = arith.constant 0 : i32
    %scan3A_8 = arith.constant 0 : i32
    %scan3A_9 = arith.constant 64 : i32
    %scan3A_10 = arith.addi %scan3A_8, %scan3A_9 : i32
    %scan3A_11 = arith.constant 1 : i32
    %scan3A_12 = scf.for %scan3A_21 = %scan3A_8 to %scan3A_10 step %scan3A_11 iter_args(%scan3A_22 = %scan3A) -> (i32)  : i32 {
      %mul3A_23 = arith.constant 2 : i32
      %mul3A_24 = arith.muli %mul3A_23, %scan3A_21 : i32
      %add3A_25 = arith.constant 0 : i32
      %add3A_26 = arith.addi %mul3A_24, %add3A_25 : i32
      %dma_wait3A_27 = arith.constant 0 : i32
      %dma_wait3A_28 = tpu.memref_slice %arg2[%mul3A_2, %dma_wait3A_27] : memref<4096x16384xf32, #tpu.memory_space<hbm>> -> memref<1x16384xf32, #tpu.memory_space<hbm>>
      %dma_wait3A_29 = tpu.memref_squeeze %dma_wait3A_28 : memref<1x16384xf32, #tpu.memory_space<hbm>> -> memref<16384xf32, #tpu.memory_space<hbm>>
      %dma_wait3A_30 = arith.constant 0 : i32
      %dma_wait3A_31 = tpu.memref_slice %arg2[%mul3A_2, %dma_wait3A_30] : memref<4096x16384xf32, #tpu.memory_space<hbm>> -> memref<1x16384xf32, #tpu.memory_space<hbm>>
      %dma_wait3A_32 = tpu.memref_squeeze %dma_wait3A_31 : memref<1x16384xf32, #tpu.memory_space<hbm>> -> memref<16384xf32, #tpu.memory_space<hbm>>
      tpu.wait_dma2 semaphore(%arg7 : memref<!tpu.dma_semaphore, #tpu.memory_space<semaphore_mem>>) src(%dma_wait3A_32 : memref<16384xf32, #tpu.memory_space<hbm>>) dst(%arg4 : memref<16384xf32, #tpu.memory_space<vmem>>)
      %add3A_33 = arith.addi %mul3A_2, %add3A_26 : i32
      %add3A_34 = arith.constant 1 : i32
      %add3A_35 = arith.addi %add3A_33, %add3A_34 : i32
      %min3A = arith.constant 4095 : i32
      %min3A_36 = arith.minsi %add3A_35, %min3A : i32
      %dma_start3A_37 = arith.constant 0 : i32
      %dma_start3A_38 = tpu.memref_slice %arg2[%min3A_36, %dma_start3A_37] : memref<4096x16384xf32, #tpu.memory_space<hbm>> -> memref<1x16384xf32, #tpu.memory_space<hbm>>
      %dma_start3A_39 = tpu.memref_squeeze %dma_start3A_38 : memref<1x16384xf32, #tpu.memory_space<hbm>> -> memref<16384xf32, #tpu.memory_space<hbm>>
      %dma_start3A_40 = arith.constant 0 : i32
      %dma_start3A_41 = tpu.memref_slice %arg2[%min3A_36, %dma_start3A_40] : memref<4096x16384xf32, #tpu.memory_space<hbm>> -> memref<1x16384xf32, #tpu.memory_space<hbm>>
      %dma_start3A_42 = tpu.memref_squeeze %dma_start3A_41 : memref<1x16384xf32, #tpu.memory_space<hbm>> -> memref<16384xf32, #tpu.memory_space<hbm>>
      tpu.enqueue_dma source(%dma_start3A_42 : memref<16384xf32, #tpu.memory_space<hbm>>) target(%arg5 : memref<16384xf32, #tpu.memory_space<vmem>>) target_semaphore(%arg8 : memref<!tpu.dma_semaphore, #tpu.memory_space<semaphore_mem>>)
      %broadcast_in_dim3A = arith.constant 0x7F800000 : f32
      %broadcast_in_dim3A_43 = vector.broadcast %broadcast_in_dim3A : f32 to vector<16xf32>
      %broadcast_in_dim3A_44 = arith.constant 0 : i32
      %broadcast_in_dim3A_45 = vector.broadcast %broadcast_in_dim3A_44 : i32 to vector<16xi32>
      %scan3A_46 = arith.constant 0 : i32
      %scan3A_47 = arith.constant 1024 : i32
      %scan3A_48 = arith.addi %scan3A_46, %scan3A_47 : i32
      %scan3A_49 = arith.constant 1 : i32
      %scan3A_50:3 = scf.for %scan3A_91 = %scan3A_46 to %scan3A_48 step %scan3A_49 iter_args(%scan3A_92 = %broadcast_in_dim3A_43, %scan3A_93 = %broadcast_in_dim3A_45, %scan3A_94 = %broadcast_in_dim3A_43) -> (vector<16xf32>, vector<16xi32>, vector<16xf32>)  : i32 {
        %mul3A_95 = arith.constant 16 : i32
        %mul3A_96 = arith.muli %scan3A_91, %mul3A_95 : i32
        %get3A = arith.index_cast %mul3A_96 : i32 to index
        %get3A_97 = tpu.vector_load %arg4[%get3A] {strides = array<i32>} : memref<16384xf32, #tpu.memory_space<vmem>>, vector<16xf32>,
        %lt3A = arith.cmpf olt, %get3A_97, %scan3A_94 : vector<16xf32>
        %reduce_or3A = arith.constant 1.000000e+00 : f32
        %reduce_or3A_98 = arith.constant 0.000000e+00 : f32
        %reduce_or3A_99 = vector.broadcast %reduce_or3A : f32 to vector<16xf32>
        %reduce_or3A_100 = vector.broadcast %reduce_or3A_98 : f32 to vector<16xf32>
        %reduce_or3A_101 = arith.select %lt3A, %reduce_or3A_99, %reduce_or3A_100 : vector<16xi1>, vector<16xf32>
        %reduce_or3A_102 = arith.constant true
        %reduce_or3A_103 = vector.broadcast %reduce_or3A_102 : i1 to vector<16xi1>
        %reduce_or3A_104 = tpu.scan <max>, %reduce_or3A_101 masked %reduce_or3A_103 : vector<16xf32>, vector<16xi1> -> vector<16xf32>
        %reduce_or3A_105 = vector.extract %reduce_or3A_104[15] : f32 from vector<16xf32>
        %reduce_or3A_106 = arith.constant 0.000000e+00 : f32
        %reduce_or3A_107 = arith.cmpf ogt, %reduce_or3A_105, %reduce_or3A_106 : f32
        %convert_element_type3A = arith.extui %reduce_or3A_107 : i1 to i32
        %cond3A = arith.constant 0 : i32
        %cond3A_108 = arith.cmpi ne, %convert_element_type3A, %cond3A : i32
        %cond3A_109:3 = scf.if %cond3A_108 -> (vector<16xf32>, vector<16xi32>, vector<16xf32>) {
          %add3A_110 = vector.broadcast %mul3A_96 : i32 to vector<16xi32>
          %add3A_111 = arith.addi %add3A_110, %iota3A : vector<16xi32>
          %masked_sort3A = arith.constant dense<true> : vector<16xi1>
          %masked_sort3A_112, %masked_sort3A_113, %masked_sort3A_114 = tpu.sort %get3A_97, %add3A_111 masked %masked_sort3A : (vector<16xf32>, vector<16xi32>, vector<16xi1>) -> (vector<16xi1>, vector<16xf32>, vector<16xi32>)
          %rev3A = arith.constant 15 : i32
          %rev3A_115 = vector.broadcast %rev3A : i32 to vector<16xi32>
          %rev3A_116 = tpu.iota {dimensions = array<i32: 0>} : vector<16xi32>
          %rev3A_117 = arith.subi %rev3A_115, %rev3A_116 : vector<16xi32>
          %rev3A_118 = tpu.dynamic_gather %masked_sort3A_113[%rev3A_117] in [0] : vector<16xf32>, vector<16xi32> -> vector<16xf32>
          %rev3A_119 = arith.constant 15 : i32
          %rev3A_120 = vector.broadcast %rev3A_119 : i32 to vector<16xi32>
          %rev3A_121 = tpu.iota {dimensions = array<i32: 0>} : vector<16xi32>
          %rev3A_122 = arith.subi %rev3A_120, %rev3A_121 : vector<16xi32>
          %rev3A_123 = tpu.dynamic_gather %masked_sort3A_114[%rev3A_122] in [0] : vector<16xi32>, vector<16xi32> -> vector<16xi32>
          %lt3A_124 = arith.cmpf olt, %rev3A_118, %scan3A_92 : vector<16xf32>
          %select_n3A = arith.select %lt3A_124, %rev3A_118, %scan3A_92 : vector<16xi1>, vector<16xf32>
          %select_n3A_125 = arith.select %lt3A_124, %rev3A_123, %scan3A_93 : vector<16xi1>, vector<16xi32>
          %masked_sort3A_126 = arith.constant dense<true> : vector<16xi1>
          %masked_sort3A_127, %masked_sort3A_128, %masked_sort3A_129 = tpu.sort %select_n3A, %select_n3A_125 masked %masked_sort3A_126 : (vector<16xf32>, vector<16xi32>, vector<16xi1>) -> (vector<16xi1>, vector<16xf32>, vector<16xi32>)
          %broadcast_in_dim3A_130 = arith.constant 15 : i32
          %broadcast_in_dim3A_131 = vector.broadcast %broadcast_in_dim3A_130 : i32 to vector<16xi32>
          %broadcast_in_dim3A_132 = vector.shape_cast %broadcast_in_dim3A_131 : vector<16xi32> to vector<16x1xi32>
          %gather3A = vector.shape_cast %broadcast_in_dim3A_132 : vector<16x1xi32> to vector<16xi32>
          %gather3A_133 = tpu.dynamic_gather %masked_sort3A_128[%gather3A] in [0] : vector<16xf32>, vector<16xi32> -> vector<16xf32>
          scf.yield %masked_sort3A_128, %masked_sort3A_129, %gather3A_133 : vector<16xf32>, vector<16xi32>, vector<16xf32>
        } else {
          scf.yield %scan3A_92, %scan3A_93, %scan3A_94 : vector<16xf32>, vector<16xi32>, vector<16xf32>
        }
        scf.yield %cond3A_109#0, %cond3A_109#1, %cond3A_109#2 : vector<16xf32>, vector<16xi32>, vector<16xf32>
      }
      %scan3A_51 = arith.constant 1024 : i32
      %mul3A_52 = arith.constant 16 : i32
      %mul3A_53 = arith.muli %add3A_26, %mul3A_52 : i32
      %swap3A = arith.index_cast %mul3A_53 : i32 to index
      %swap3A_54 = tpu.vector_load %arg6[%swap3A] {strides = array<i32>} : memref<2048xi32, #tpu.memory_space<vmem>>, vector<16xi32>,
      tpu.vector_store %arg6[%swap3A], %scan3A_50#1 {strides = array<i32>} : memref<2048xi32, #tpu.memory_space<vmem>>, vector<16xi32>,
      %mul3A_55 = arith.constant 2 : i32
      %mul3A_56 = arith.muli %mul3A_55, %scan3A_21 : i32
      %add3A_57 = arith.constant 1 : i32
      %add3A_58 = arith.addi %mul3A_56, %add3A_57 : i32
      %dma_wait3A_59 = arith.constant 0 : i32
      %dma_wait3A_60 = tpu.memref_slice %arg2[%mul3A_2, %dma_wait3A_59] : memref<4096x16384xf32, #tpu.memory_space<hbm>> -> memref<1x16384xf32, #tpu.memory_space<hbm>>
      %dma_wait3A_61 = tpu.memref_squeeze %dma_wait3A_60 : memref<1x16384xf32, #tpu.memory_space<hbm>> -> memref<16384xf32, #tpu.memory_space<hbm>>
      %dma_wait3A_62 = arith.constant 0 : i32
      %dma_wait3A_63 = tpu.memref_slice %arg2[%mul3A_2, %dma_wait3A_62] : memref<4096x16384xf32, #tpu.memory_space<hbm>> -> memref<1x16384xf32, #tpu.memory_space<hbm>>
      %dma_wait3A_64 = tpu.memref_squeeze %dma_wait3A_63 : memref<1x16384xf32, #tpu.memory_space<hbm>> -> memref<16384xf32, #tpu.memory_space<hbm>>
      tpu.wait_dma2 semaphore(%arg8 : memref<!tpu.dma_semaphore, #tpu.memory_space<semaphore_mem>>) src(%dma_wait3A_64 : memref<16384xf32, #tpu.memory_space<hbm>>) dst(%arg5 : memref<16384xf32, #tpu.memory_space<vmem>>)
      %add3A_65 = arith.addi %mul3A_2, %add3A_58 : i32
      %add3A_66 = arith.constant 1 : i32
      %add3A_67 = arith.addi %add3A_65, %add3A_66 : i32
      %min3A_68 = arith.constant 4095 : i32
      %min3A_69 = arith.minsi %add3A_67, %min3A_68 : i32
      %dma_start3A_70 = arith.constant 0 : i32
      %dma_start3A_71 = tpu.memref_slice %arg2[%min3A_69, %dma_start3A_70] : memref<4096x16384xf32, #tpu.memory_space<hbm>> -> memref<1x16384xf32, #tpu.memory_space<hbm>>
      %dma_start3A_72 = tpu.memref_squeeze %dma_start3A_71 : memref<1x16384xf32, #tpu.memory_space<hbm>> -> memref<16384xf32, #tpu.memory_space<hbm>>
      %dma_start3A_73 = arith.constant 0 : i32
      %dma_start3A_74 = tpu.memref_slice %arg2[%min3A_69, %dma_start3A_73] : memref<4096x16384xf32, #tpu.memory_space<hbm>> -> memref<1x16384xf32, #tpu.memory_space<hbm>>
      %dma_start3A_75 = tpu.memref_squeeze %dma_start3A_74 : memref<1x16384xf32, #tpu.memory_space<hbm>> -> memref<16384xf32, #tpu.memory_space<hbm>>
      tpu.enqueue_dma source(%dma_start3A_75 : memref<16384xf32, #tpu.memory_space<hbm>>) target(%arg4 : memref<16384xf32, #tpu.memory_space<vmem>>) target_semaphore(%arg7 : memref<!tpu.dma_semaphore, #tpu.memory_space<semaphore_mem>>)
      %broadcast_in_dim3A_76 = arith.constant 0x7F800000 : f32
      %broadcast_in_dim3A_77 = vector.broadcast %broadcast_in_dim3A_76 : f32 to vector<16xf32>
      %broadcast_in_dim3A_78 = arith.constant 0 : i32
      %broadcast_in_dim3A_79 = vector.broadcast %broadcast_in_dim3A_78 : i32 to vector<16xi32>
      %scan3A_80 = arith.constant 0 : i32
      %scan3A_81 = arith.constant 1024 : i32
      %scan3A_82 = arith.addi %scan3A_80, %scan3A_81 : i32
      %scan3A_83 = arith.constant 1 : i32
      %scan3A_84:3 = scf.for %scan3A_91 = %scan3A_80 to %scan3A_82 step %scan3A_83 iter_args(%scan3A_92 = %broadcast_in_dim3A_77, %scan3A_93 = %broadcast_in_dim3A_79, %scan3A_94 = %broadcast_in_dim3A_77) -> (vector<16xf32>, vector<16xi32>, vector<16xf32>)  : i32 {
        %mul3A_95 = arith.constant 16 : i32
        %mul3A_96 = arith.muli %scan3A_91, %mul3A_95 : i32
        %get3A = arith.index_cast %mul3A_96 : i32 to index
        %get3A_97 = tpu.vector_load %arg5[%get3A] {strides = array<i32>} : memref<16384xf32, #tpu.memory_space<vmem>>, vector<16xf32>,
        %lt3A = arith.cmpf olt, %get3A_97, %scan3A_94 : vector<16xf32>
        %reduce_or3A = arith.constant 1.000000e+00 : f32
        %reduce_or3A_98 = arith.constant 0.000000e+00 : f32
        %reduce_or3A_99 = vector.broadcast %reduce_or3A : f32 to vector<16xf32>
        %reduce_or3A_100 = vector.broadcast %reduce_or3A_98 : f32 to vector<16xf32>
        %reduce_or3A_101 = arith.select %lt3A, %reduce_or3A_99, %reduce_or3A_100 : vector<16xi1>, vector<16xf32>
        %reduce_or3A_102 = arith.constant true
        %reduce_or3A_103 = vector.broadcast %reduce_or3A_102 : i1 to vector<16xi1>
        %reduce_or3A_104 = tpu.scan <max>, %reduce_or3A_101 masked %reduce_or3A_103 : vector<16xf32>, vector<16xi1> -> vector<16xf32>
        %reduce_or3A_105 = vector.extract %reduce_or3A_104[15] : f32 from vector<16xf32>
        %reduce_or3A_106 = arith.constant 0.000000e+00 : f32
        %reduce_or3A_107 = arith.cmpf ogt, %reduce_or3A_105, %reduce_or3A_106 : f32
        %convert_element_type3A = arith.extui %reduce_or3A_107 : i1 to i32
        %cond3A = arith.constant 0 : i32
        %cond3A_108 = arith.cmpi ne, %convert_element_type3A, %cond3A : i32
        %cond3A_109:3 = scf.if %cond3A_108 -> (vector<16xf32>, vector<16xi32>, vector<16xf32>) {
          %add3A_110 = vector.broadcast %mul3A_96 : i32 to vector<16xi32>
          %add3A_111 = arith.addi %add3A_110, %iota3A : vector<16xi32>
          %masked_sort3A = arith.constant dense<true> : vector<16xi1>
          %masked_sort3A_112, %masked_sort3A_113, %masked_sort3A_114 = tpu.sort %get3A_97, %add3A_111 masked %masked_sort3A : (vector<16xf32>, vector<16xi32>, vector<16xi1>) -> (vector<16xi1>, vector<16xf32>, vector<16xi32>)
          %rev3A = arith.constant 15 : i32
          %rev3A_115 = vector.broadcast %rev3A : i32 to vector<16xi32>
          %rev3A_116 = tpu.iota {dimensions = array<i32: 0>} : vector<16xi32>
          %rev3A_117 = arith.subi %rev3A_115, %rev3A_116 : vector<16xi32>
          %rev3A_118 = tpu.dynamic_gather %masked_sort3A_113[%rev3A_117] in [0] : vector<16xf32>, vector<16xi32> -> vector<16xf32>
          %rev3A_119 = arith.constant 15 : i32
          %rev3A_120 = vector.broadcast %rev3A_119 : i32 to vector<16xi32>
          %rev3A_121 = tpu.iota {dimensions = array<i32: 0>} : vector<16xi32>
          %rev3A_122 = arith.subi %rev3A_120, %rev3A_121 : vector<16xi32>
          %rev3A_123 = tpu.dynamic_gather %masked_sort3A_114[%rev3A_122] in [0] : vector<16xi32>, vector<16xi32> -> vector<16xi32>
          %lt3A_124 = arith.cmpf olt, %rev3A_118, %scan3A_92 : vector<16xf32>
          %select_n3A = arith.select %lt3A_124, %rev3A_118, %scan3A_92 : vector<16xi1>, vector<16xf32>
          %select_n3A_125 = arith.select %lt3A_124, %rev3A_123, %scan3A_93 : vector<16xi1>, vector<16xi32>
          %masked_sort3A_126 = arith.constant dense<true> : vector<16xi1>
          %masked_sort3A_127, %masked_sort3A_128, %masked_sort3A_129 = tpu.sort %select_n3A, %select_n3A_125 masked %masked_sort3A_126 : (vector<16xf32>, vector<16xi32>, vector<16xi1>) -> (vector<16xi1>, vector<16xf32>, vector<16xi32>)
          %broadcast_in_dim3A_130 = arith.constant 15 : i32
          %broadcast_in_dim3A_131 = vector.broadcast %broadcast_in_dim3A_130 : i32 to vector<16xi32>
          %broadcast_in_dim3A_132 = vector.shape_cast %broadcast_in_dim3A_131 : vector<16xi32> to vector<16x1xi32>
          %gather3A = vector.shape_cast %broadcast_in_dim3A_132 : vector<16x1xi32> to vector<16xi32>
          %gather3A_133 = tpu.dynamic_gather %masked_sort3A_128[%gather3A] in [0] : vector<16xf32>, vector<16xi32> -> vector<16xf32>
          scf.yield %masked_sort3A_128, %masked_sort3A_129, %gather3A_133 : vector<16xf32>, vector<16xi32>, vector<16xf32>
        } else {
          scf.yield %scan3A_92, %scan3A_93, %scan3A_94 : vector<16xf32>, vector<16xi32>, vector<16xf32>
        }
        scf.yield %cond3A_109#0, %cond3A_109#1, %cond3A_109#2 : vector<16xf32>, vector<16xi32>, vector<16xf32>
      }
      %scan3A_85 = arith.constant 1024 : i32
      %mul3A_86 = arith.constant 16 : i32
      %mul3A_87 = arith.muli %add3A_58, %mul3A_86 : i32
      %swap3A_88 = arith.index_cast %mul3A_87 : i32 to index
      %swap3A_89 = tpu.vector_load %arg6[%swap3A_88] {strides = array<i32>} : memref<2048xi32, #tpu.memory_space<vmem>>, vector<16xi32>,
      tpu.vector_store %arg6[%swap3A_88], %scan3A_84#1 {strides = array<i32>} : memref<2048xi32, #tpu.memory_space<vmem>>, vector<16xi32>,
      %scan3A_90 = arith.constant 0 : i32
      scf.yield %scan3A_90 : i32
    }
    %scan3A_13 = arith.constant 64 : i32
    %dma_wait3A = arith.constant 0 : i32
    %dma_wait3A_14 = tpu.memref_slice %arg2[%mul3A_2, %dma_wait3A] : memref<4096x16384xf32, #tpu.memory_space<hbm>> -> memref<1x16384xf32, #tpu.memory_space<hbm>>
    %dma_wait3A_15 = tpu.memref_squeeze %dma_wait3A_14 : memref<1x16384xf32, #tpu.memory_space<hbm>> -> memref<16384xf32, #tpu.memory_space<hbm>>
    %dma_wait3A_16 = arith.constant 0 : i32
    %dma_wait3A_17 = tpu.memref_slice %arg2[%mul3A_2, %dma_wait3A_16] : memref<4096x16384xf32, #tpu.memory_space<hbm>> -> memref<1x16384xf32, #tpu.memory_space<hbm>>
    %dma_wait3A_18 = tpu.memref_squeeze %dma_wait3A_17 : memref<1x16384xf32, #tpu.memory_space<hbm>> -> memref<16384xf32, #tpu.memory_space<hbm>>
    tpu.wait_dma2 semaphore(%arg7 : memref<!tpu.dma_semaphore, #tpu.memory_space<semaphore_mem>>) src(%dma_wait3A_18 : memref<16384xf32, #tpu.memory_space<hbm>>) dst(%arg4 : memref<16384xf32, #tpu.memory_space<vmem>>)
    %mul3A_19 = arith.constant 16 : i32
    %mul3A_20 = arith.muli %mul3A_2, %mul3A_19 : i32
    "tpu.region"() ({
      %run_scoped3A = tpu.sem_alloc : memref<!tpu.dma_semaphore, #tpu.memory_space<semaphore_mem>>
      %dma_start3A_21 = tpu.memref_slice %arg3[%mul3A_20] : memref<65536xi32, #tpu.memory_space<hbm>> -> memref<2048xi32, #tpu.memory_space<hbm>>
      %dma_start3A_22 = tpu.memref_slice %arg3[%mul3A_20] : memref<65536xi32, #tpu.memory_space<hbm>> -> memref<2048xi32, #tpu.memory_space<hbm>>
      tpu.enqueue_dma source(%arg6 : memref<2048xi32, #tpu.memory_space<vmem>>) target(%dma_start3A_22 : memref<2048xi32, #tpu.memory_space<hbm>>) target_semaphore(%run_scoped3A : memref<!tpu.dma_semaphore, #tpu.memory_space<semaphore_mem>>)
      %dma_wait3A_23 = tpu.memref_slice %arg3[%mul3A_20] : memref<65536xi32, #tpu.memory_space<hbm>> -> memref<2048xi32, #tpu.memory_space<hbm>>
      %dma_wait3A_24 = tpu.memref_slice %arg3[%mul3A_20] : memref<65536xi32, #tpu.memory_space<hbm>> -> memref<2048xi32, #tpu.memory_space<hbm>>
      tpu.wait_dma2 semaphore(%run_scoped3A : memref<!tpu.dma_semaphore, #tpu.memory_space<semaphore_mem>>) src(%arg6 : memref<2048xi32, #tpu.memory_space<vmem>>) dst(%dma_wait3A_24 : memref<2048xi32, #tpu.memory_space<hbm>>)
      tpu.yield
    }) : () -> ()
    return
  }
}

module attributes {stable_mosaic.version = 14 : i64} {
  func.func @_fps_kernel(%arg0: memref<128x128xf32, #tpu.memory_space<vmem>>, %arg1: memref<128x128xf32, #tpu.memory_space<vmem>>, %arg2: memref<128x128xf32, #tpu.memory_space<vmem>>, %arg3: memref<32x128xf32, #tpu.memory_space<vmem>>, %arg4: memref<32x128xf32, #tpu.memory_space<vmem>>, %arg5: memref<32x128xf32, #tpu.memory_space<vmem>>, %arg6: memref<128x128xf32, #tpu.memory_space<vmem>>) attributes {dimension_semantics = [], scalar_prefetch = 0 : i64, scratch_operands = 0 : i64, tpu.core_type = #tpu.core_type<tc>} {
    %iota3A = tpu.iota {dimensions = array<i32: 0>} : vector<128x128xi32>
    %mul3A = arith.constant 128 : i32
    %mul3A_0 = vector.broadcast %mul3A : i32 to vector<128x128xi32>
    %mul3A_1 = arith.muli %iota3A, %mul3A_0 : vector<128x128xi32>
    %iota3A_2 = tpu.iota {dimensions = array<i32: 1>} : vector<128x128xi32>
    %add3A = arith.addi %mul3A_1, %iota3A_2 : vector<128x128xi32>
    %iota3A_3 = tpu.iota {dimensions = array<i32: 0>} : vector<32x128xi32>
    %mul3A_4 = arith.constant 128 : i32
    %mul3A_5 = vector.broadcast %mul3A_4 : i32 to vector<32x128xi32>
    %mul3A_6 = arith.muli %iota3A_3, %mul3A_5 : vector<32x128xi32>
    %iota3A_7 = tpu.iota {dimensions = array<i32: 1>} : vector<32x128xi32>
    %add3A_8 = arith.addi %mul3A_6, %iota3A_7 : vector<32x128xi32>
    %get3A = arith.constant 0 : index
    %get3A_9 = arith.constant 0 : index
    %get3A_10 = vector.load %arg0[%get3A, %get3A_9] : memref<128x128xf32, #tpu.memory_space<vmem>>, vector<128x128xf32>
    %get3A_11 = arith.constant 0 : index
    %get3A_12 = arith.constant 0 : index
    %get3A_13 = vector.load %arg1[%get3A_11, %get3A_12] : memref<128x128xf32, #tpu.memory_space<vmem>>, vector<128x128xf32>
    %get3A_14 = arith.constant 0 : index
    %get3A_15 = arith.constant 0 : index
    %get3A_16 = vector.load %arg2[%get3A_14, %get3A_15] : memref<128x128xf32, #tpu.memory_space<vmem>>, vector<128x128xf32>
    %mul3A_17 = arith.mulf %get3A_10, %get3A_10 : vector<128x128xf32>
    %mul3A_18 = arith.mulf %get3A_13, %get3A_13 : vector<128x128xf32>
    %add3A_19 = arith.addf %mul3A_17, %mul3A_18 : vector<128x128xf32>
    %mul3A_20 = arith.mulf %get3A_16, %get3A_16 : vector<128x128xf32>
    %add3A_21 = arith.addf %add3A_19, %mul3A_20 : vector<128x128xf32>
    %swap3A = arith.constant 0 : index
    %swap3A_22 = arith.constant 0 : index
    %swap3A_23 = vector.load %arg6[%swap3A, %swap3A_22] : memref<128x128xf32, #tpu.memory_space<vmem>>, vector<128x128xf32>
    tpu.vector_store %arg6[%swap3A, %swap3A_22], %add3A_21 {strides = array<i32>} : memref<128x128xf32, #tpu.memory_space<vmem>>, vector<128x128xf32>,
    %broadcast_in_dim3A = arith.constant 0x7F800000 : f32
    %broadcast_in_dim3A_24 = vector.broadcast %broadcast_in_dim3A : f32 to vector<128x128xf32>
    %broadcast_in_dim3A_25 = arith.constant 0.000000e+00 : f32
    %broadcast_in_dim3A_26 = vector.broadcast %broadcast_in_dim3A_25 : f32 to vector<32x128xf32>
    %scan3A = arith.constant 0 : i32
    %scan3A_27 = arith.constant 1 : i32
    %scan3A_28 = arith.constant 4095 : i32
    %scan3A_29 = arith.addi %scan3A_27, %scan3A_28 : i32
    %scan3A_30 = arith.constant 1 : i32
    %scan3A_31:5 = scf.for %scan3A_73 = %scan3A_27 to %scan3A_29 step %scan3A_30 iter_args(%scan3A_74 = %broadcast_in_dim3A_24, %scan3A_75 = %scan3A, %scan3A_76 = %broadcast_in_dim3A_26, %scan3A_77 = %broadcast_in_dim3A_26, %scan3A_78 = %broadcast_in_dim3A_26) -> (vector<128x128xf32>, i32, vector<32x128xf32>, vector<32x128xf32>, vector<32x128xf32>)  : i32 {
      %eq3A_79 = vector.broadcast %scan3A_75 : i32 to vector<128x128xi32>
      %eq3A_80 = arith.cmpi eq, %add3A, %eq3A_79 : vector<128x128xi32>
      %jit3A_81 = arith.constant 0.000000e+00 : f32
      %broadcast_in_dim3A_82 = vector.broadcast %jit3A_81 : f32 to vector<128x128xf32>
      %select_n3A_83 = arith.select %eq3A_80, %get3A_10, %broadcast_in_dim3A_82 : vector<128x128xi1>, vector<128x128xf32>
      %reduce_sum3A_84 = vector.shape_cast %select_n3A_83 : vector<128x128xf32> to vector<1x128x128xf32>
      %reduce_sum3A_85 = arith.constant dense<0.000000e+00> : vector<1xf32>
      %reduce_sum3A_86 = vector.multi_reduction <add>, %reduce_sum3A_84, %reduce_sum3A_85 [1, 2] : vector<1x128x128xf32> to vector<1xf32>
      %reduce_sum3A_87 = vector.shape_cast %reduce_sum3A_86 : vector<1xf32> to vector<1x1x1xf32>
      %reduce_sum3A_88 = vector.extract %reduce_sum3A_87[0, 0, 0] : f32 from vector<1x1x1xf32>
      %jit3A_89 = arith.constant 0.000000e+00 : f32
      %broadcast_in_dim3A_90 = vector.broadcast %jit3A_89 : f32 to vector<128x128xf32>
      %select_n3A_91 = arith.select %eq3A_80, %get3A_13, %broadcast_in_dim3A_90 : vector<128x128xi1>, vector<128x128xf32>
      %reduce_sum3A_92 = vector.shape_cast %select_n3A_91 : vector<128x128xf32> to vector<1x128x128xf32>
      %reduce_sum3A_93 = arith.constant dense<0.000000e+00> : vector<1xf32>
      %reduce_sum3A_94 = vector.multi_reduction <add>, %reduce_sum3A_92, %reduce_sum3A_93 [1, 2] : vector<1x128x128xf32> to vector<1xf32>
      %reduce_sum3A_95 = vector.shape_cast %reduce_sum3A_94 : vector<1xf32> to vector<1x1x1xf32>
      %reduce_sum3A_96 = vector.extract %reduce_sum3A_95[0, 0, 0] : f32 from vector<1x1x1xf32>
      %jit3A_97 = arith.constant 0.000000e+00 : f32
      %broadcast_in_dim3A_98 = vector.broadcast %jit3A_97 : f32 to vector<128x128xf32>
      %select_n3A_99 = arith.select %eq3A_80, %get3A_16, %broadcast_in_dim3A_98 : vector<128x128xi1>, vector<128x128xf32>
      %reduce_sum3A_100 = vector.shape_cast %select_n3A_99 : vector<128x128xf32> to vector<1x128x128xf32>
      %reduce_sum3A_101 = arith.constant dense<0.000000e+00> : vector<1xf32>
      %reduce_sum3A_102 = vector.multi_reduction <add>, %reduce_sum3A_100, %reduce_sum3A_101 [1, 2] : vector<1x128x128xf32> to vector<1xf32>
      %reduce_sum3A_103 = vector.shape_cast %reduce_sum3A_102 : vector<1xf32> to vector<1x1x1xf32>
      %reduce_sum3A_104 = vector.extract %reduce_sum3A_103[0, 0, 0] : f32 from vector<1x1x1xf32>
      %sub3A = arith.constant 1 : i32
      %sub3A_105 = arith.subi %scan3A_73, %sub3A : i32
      %eq3A_106 = vector.broadcast %sub3A_105 : i32 to vector<32x128xi32>
      %eq3A_107 = arith.cmpi eq, %add3A_8, %eq3A_106 : vector<32x128xi32>
      %broadcast_in_dim3A_108 = vector.broadcast %reduce_sum3A_88 : f32 to vector<32x128xf32>
      %select_n3A_109 = arith.select %eq3A_107, %broadcast_in_dim3A_108, %scan3A_76 : vector<32x128xi1>, vector<32x128xf32>
      %broadcast_in_dim3A_110 = vector.broadcast %reduce_sum3A_96 : f32 to vector<32x128xf32>
      %select_n3A_111 = arith.select %eq3A_107, %broadcast_in_dim3A_110, %scan3A_77 : vector<32x128xi1>, vector<32x128xf32>
      %broadcast_in_dim3A_112 = vector.broadcast %reduce_sum3A_104 : f32 to vector<32x128xf32>
      %select_n3A_113 = arith.select %eq3A_107, %broadcast_in_dim3A_112, %scan3A_78 : vector<32x128xi1>, vector<32x128xf32>
      %sub3A_114 = vector.broadcast %reduce_sum3A_88 : f32 to vector<128x128xf32>
      %sub3A_115 = arith.subf %get3A_10, %sub3A_114 : vector<128x128xf32>
      %sub3A_116 = vector.broadcast %reduce_sum3A_96 : f32 to vector<128x128xf32>
      %sub3A_117 = arith.subf %get3A_13, %sub3A_116 : vector<128x128xf32>
      %sub3A_118 = vector.broadcast %reduce_sum3A_104 : f32 to vector<128x128xf32>
      %sub3A_119 = arith.subf %get3A_16, %sub3A_118 : vector<128x128xf32>
      %mul3A_120 = arith.mulf %sub3A_115, %sub3A_115 : vector<128x128xf32>
      %mul3A_121 = arith.mulf %sub3A_117, %sub3A_117 : vector<128x128xf32>
      %add3A_122 = arith.addf %mul3A_120, %mul3A_121 : vector<128x128xf32>
      %mul3A_123 = arith.mulf %sub3A_119, %sub3A_119 : vector<128x128xf32>
      %add3A_124 = arith.addf %add3A_122, %mul3A_123 : vector<128x128xf32>
      %min3A = arith.minimumf %scan3A_74, %add3A_124 : vector<128x128xf32>
      %reduce_max3A = vector.shape_cast %min3A : vector<128x128xf32> to vector<1x128x128xf32>
      %reduce_max3A_125 = arith.constant dense<0xFF800000> : vector<1xf32>
      %reduce_max3A_126 = vector.multi_reduction <maximumf>, %reduce_max3A, %reduce_max3A_125 [1, 2] : vector<1x128x128xf32> to vector<1xf32>
      %reduce_max3A_127 = vector.shape_cast %reduce_max3A_126 : vector<1xf32> to vector<1x1x1xf32>
      %reduce_max3A_128 = vector.extract %reduce_max3A_127[0, 0, 0] : f32 from vector<1x1x1xf32>
      %eq3A_129 = vector.broadcast %reduce_max3A_128 : f32 to vector<128x128xf32>
      %eq3A_130 = arith.cmpf oeq, %min3A, %eq3A_129 : vector<128x128xf32>
      %jit3A_131 = arith.constant 16384 : i32
      %broadcast_in_dim3A_132 = vector.broadcast %jit3A_131 : i32 to vector<128x128xi32>
      %select_n3A_133 = arith.select %eq3A_130, %add3A, %broadcast_in_dim3A_132 : vector<128x128xi1>, vector<128x128xi32>
      %reduce_min3A = vector.shape_cast %select_n3A_133 : vector<128x128xi32> to vector<1x128x128xi32>
      %reduce_min3A_134 = arith.constant dense<2147483647> : vector<1xi32>
      %reduce_min3A_135 = vector.multi_reduction <minsi>, %reduce_min3A, %reduce_min3A_134 [1, 2] : vector<1x128x128xi32> to vector<1xi32>
      %reduce_min3A_136 = vector.shape_cast %reduce_min3A_135 : vector<1xi32> to vector<1x1x1xi32>
      %reduce_min3A_137 = vector.extract %reduce_min3A_136[0, 0, 0] : i32 from vector<1x1x1xi32>
      scf.yield %min3A, %reduce_min3A_137, %select_n3A_109, %select_n3A_111, %select_n3A_113 : vector<128x128xf32>, i32, vector<32x128xf32>, vector<32x128xf32>, vector<32x128xf32>
    }
    %scan3A_32 = arith.constant 4095 : i32
    %eq3A = vector.broadcast %scan3A_31#1 : i32 to vector<128x128xi32>
    %eq3A_33 = arith.cmpi eq, %add3A, %eq3A : vector<128x128xi32>
    %jit3A = arith.constant 0.000000e+00 : f32
    %broadcast_in_dim3A_34 = vector.broadcast %jit3A : f32 to vector<128x128xf32>
    %select_n3A = arith.select %eq3A_33, %get3A_10, %broadcast_in_dim3A_34 : vector<128x128xi1>, vector<128x128xf32>
    %reduce_sum3A = vector.shape_cast %select_n3A : vector<128x128xf32> to vector<1x128x128xf32>
    %reduce_sum3A_35 = arith.constant dense<0.000000e+00> : vector<1xf32>
    %reduce_sum3A_36 = vector.multi_reduction <add>, %reduce_sum3A, %reduce_sum3A_35 [1, 2] : vector<1x128x128xf32> to vector<1xf32>
    %reduce_sum3A_37 = vector.shape_cast %reduce_sum3A_36 : vector<1xf32> to vector<1x1x1xf32>
    %reduce_sum3A_38 = vector.extract %reduce_sum3A_37[0, 0, 0] : f32 from vector<1x1x1xf32>
    %jit3A_39 = arith.constant 0.000000e+00 : f32
    %broadcast_in_dim3A_40 = vector.broadcast %jit3A_39 : f32 to vector<128x128xf32>
    %select_n3A_41 = arith.select %eq3A_33, %get3A_13, %broadcast_in_dim3A_40 : vector<128x128xi1>, vector<128x128xf32>
    %reduce_sum3A_42 = vector.shape_cast %select_n3A_41 : vector<128x128xf32> to vector<1x128x128xf32>
    %reduce_sum3A_43 = arith.constant dense<0.000000e+00> : vector<1xf32>
    %reduce_sum3A_44 = vector.multi_reduction <add>, %reduce_sum3A_42, %reduce_sum3A_43 [1, 2] : vector<1x128x128xf32> to vector<1xf32>
    %reduce_sum3A_45 = vector.shape_cast %reduce_sum3A_44 : vector<1xf32> to vector<1x1x1xf32>
    %reduce_sum3A_46 = vector.extract %reduce_sum3A_45[0, 0, 0] : f32 from vector<1x1x1xf32>
    %jit3A_47 = arith.constant 0.000000e+00 : f32
    %broadcast_in_dim3A_48 = vector.broadcast %jit3A_47 : f32 to vector<128x128xf32>
    %select_n3A_49 = arith.select %eq3A_33, %get3A_16, %broadcast_in_dim3A_48 : vector<128x128xi1>, vector<128x128xf32>
    %reduce_sum3A_50 = vector.shape_cast %select_n3A_49 : vector<128x128xf32> to vector<1x128x128xf32>
    %reduce_sum3A_51 = arith.constant dense<0.000000e+00> : vector<1xf32>
    %reduce_sum3A_52 = vector.multi_reduction <add>, %reduce_sum3A_50, %reduce_sum3A_51 [1, 2] : vector<1x128x128xf32> to vector<1xf32>
    %reduce_sum3A_53 = vector.shape_cast %reduce_sum3A_52 : vector<1xf32> to vector<1x1x1xf32>
    %reduce_sum3A_54 = vector.extract %reduce_sum3A_53[0, 0, 0] : f32 from vector<1x1x1xf32>
    %eq3A_55 = arith.constant 4095 : i32
    %eq3A_56 = vector.broadcast %eq3A_55 : i32 to vector<32x128xi32>
    %eq3A_57 = arith.cmpi eq, %add3A_8, %eq3A_56 : vector<32x128xi32>
    %broadcast_in_dim3A_58 = vector.broadcast %reduce_sum3A_38 : f32 to vector<32x128xf32>
    %select_n3A_59 = arith.select %eq3A_57, %broadcast_in_dim3A_58, %scan3A_31#2 : vector<32x128xi1>, vector<32x128xf32>
    %swap3A_60 = arith.constant 0 : index
    %swap3A_61 = arith.constant 0 : index
    %swap3A_62 = vector.load %arg3[%swap3A_60, %swap3A_61] : memref<32x128xf32, #tpu.memory_space<vmem>>, vector<32x128xf32>
    tpu.vector_store %arg3[%swap3A_60, %swap3A_61], %select_n3A_59 {strides = array<i32>} : memref<32x128xf32, #tpu.memory_space<vmem>>, vector<32x128xf32>,
    %broadcast_in_dim3A_63 = vector.broadcast %reduce_sum3A_46 : f32 to vector<32x128xf32>
    %select_n3A_64 = arith.select %eq3A_57, %broadcast_in_dim3A_63, %scan3A_31#3 : vector<32x128xi1>, vector<32x128xf32>
    %swap3A_65 = arith.constant 0 : index
    %swap3A_66 = arith.constant 0 : index
    %swap3A_67 = vector.load %arg4[%swap3A_65, %swap3A_66] : memref<32x128xf32, #tpu.memory_space<vmem>>, vector<32x128xf32>
    tpu.vector_store %arg4[%swap3A_65, %swap3A_66], %select_n3A_64 {strides = array<i32>} : memref<32x128xf32, #tpu.memory_space<vmem>>, vector<32x128xf32>,
    %broadcast_in_dim3A_68 = vector.broadcast %reduce_sum3A_54 : f32 to vector<32x128xf32>
    %select_n3A_69 = arith.select %eq3A_57, %broadcast_in_dim3A_68, %scan3A_31#4 : vector<32x128xi1>, vector<32x128xf32>
    %swap3A_70 = arith.constant 0 : index
    %swap3A_71 = arith.constant 0 : index
    %swap3A_72 = vector.load %arg5[%swap3A_70, %swap3A_71] : memref<32x128xf32, #tpu.memory_space<vmem>>, vector<32x128xf32>
    tpu.vector_store %arg5[%swap3A_70, %swap3A_71], %select_n3A_69 {strides = array<i32>} : memref<32x128xf32, #tpu.memory_space<vmem>>, vector<32x128xf32>,
    return
  }
}

module attributes {stable_mosaic.version = 14 : i64} {
  func.func @_d2_kernel(%arg0: i32, %arg1: i32, %arg2: memref<512x8xf32, #tpu.memory_space<vmem>>, %arg3: memref<8x2048xf32, #tpu.memory_space<vmem>>, %arg4: memref<512x1xf32, #tpu.memory_space<vmem>>, %arg5: memref<1x2048xf32, #tpu.memory_space<vmem>>, %arg6: memref<512x2048xf32, #tpu.memory_space<vmem>>) attributes {dimension_semantics = [#tpu.dimension_semantics<arbitrary>, #tpu.dimension_semantics<arbitrary>], iteration_bounds = array<i64: 8, 8>, scalar_prefetch = 0 : i64, scratch_operands = 0 : i64, tpu.core_type = #tpu.core_type<tc>, window_params = [{transform_indices = @transform_0, window_bounds = array<i64: 512, 8>}, {transform_indices = @transform_1, window_bounds = array<i64: 8, 2048>}, {transform_indices = @transform_2, window_bounds = array<i64: 512, 1>}, {transform_indices = @transform_3, window_bounds = array<i64: 1, 2048>}, {transform_indices = @transform_4, window_bounds = array<i64: 512, 2048>}]} {
    %get3A = arith.constant 0 : index
    %get3A_0 = arith.constant 0 : index
    %get3A_1 = vector.load %arg2[%get3A, %get3A_0] : memref<512x8xf32, #tpu.memory_space<vmem>>, vector<512x8xf32>
    %get3A_2 = arith.constant 0 : index
    %get3A_3 = arith.constant 0 : index
    %get3A_4 = vector.load %arg3[%get3A_2, %get3A_3] : memref<8x2048xf32, #tpu.memory_space<vmem>>, vector<8x2048xf32>
    %dot_general3A = arith.constant dense<0.000000e+00> : vector<512x2048xf32>
    %dot_general3A_5 = tpu.matmul %get3A_1, %get3A_4, %dot_general3A {dimension_numbers = #tpu.dot_dimension_numbers<[1], [0], [0], [1], [0, 0, 1, 1], [], []>, transpose_lhs_hint = false} : vector<512x8xf32>, vector<8x2048xf32>, vector<512x2048xf32> -> vector<512x2048xf32>
    %get3A_6 = arith.constant 0 : index
    %get3A_7 = arith.constant 0 : index
    %get3A_8 = vector.load %arg4[%get3A_6, %get3A_7] : memref<512x1xf32, #tpu.memory_space<vmem>>, vector<512x1xf32>
    %mul3A = arith.constant 2.000000e+00 : f32
    %mul3A_9 = vector.broadcast %mul3A : f32 to vector<512x2048xf32>
    %mul3A_10 = arith.mulf %mul3A_9, %dot_general3A_5 : vector<512x2048xf32>
    %sub3A = vector.broadcast %get3A_8 : vector<512x1xf32> to vector<512x2048xf32>
    %sub3A_11 = arith.subf %sub3A, %mul3A_10 : vector<512x2048xf32>
    %get3A_12 = arith.constant 0 : index
    %get3A_13 = arith.constant 0 : index
    %get3A_14 = vector.load %arg5[%get3A_12, %get3A_13] : memref<1x2048xf32, #tpu.memory_space<vmem>>, vector<1x2048xf32>
    %add3A = vector.broadcast %get3A_14 : vector<1x2048xf32> to vector<512x2048xf32>
    %add3A_15 = arith.addf %sub3A_11, %add3A : vector<512x2048xf32>
    %swap3A = arith.constant 0 : index
    %swap3A_16 = arith.constant 0 : index
    %swap3A_17 = vector.load %arg6[%swap3A, %swap3A_16] : memref<512x2048xf32, #tpu.memory_space<vmem>>, vector<512x2048xf32>
    tpu.vector_store %arg6[%swap3A, %swap3A_16], %add3A_15 {strides = array<i32>} : memref<512x2048xf32, #tpu.memory_space<vmem>>, vector<512x2048xf32>,
    return
  }
  func.func @transform_0(%arg0: i32, %arg1: i32) -> (i32, i32) {
    %c0_i32 = arith.constant 0 : i32
    %c0_i32_0 = arith.constant 0 : i32
    return %arg0, %c0_i32 : i32, i32
  }
  func.func @transform_1(%arg0: i32, %arg1: i32) -> (i32, i32) {
    %c0_i32 = arith.constant 0 : i32
    %c0_i32_0 = arith.constant 0 : i32
    return %c0_i32, %arg1 : i32, i32
  }
  func.func @transform_2(%arg0: i32, %arg1: i32) -> (i32, i32) {
    %c0_i32 = arith.constant 0 : i32
    %c0_i32_0 = arith.constant 0 : i32
    return %arg0, %c0_i32 : i32, i32
  }
  func.func @transform_3(%arg0: i32, %arg1: i32) -> (i32, i32) {
    %c0_i32 = arith.constant 0 : i32
    %c0_i32_0 = arith.constant 0 : i32
    return %c0_i32, %arg1 : i32, i32
  }
  func.func @transform_4(%arg0: i32, %arg1: i32) -> (i32, i32) {
    %c0_i32 = arith.constant 0 : i32
    return %arg0, %arg1 : i32, i32
  }
}

module attributes {stable_mosaic.version = 14 : i64} {
  func.func @_mlp_kernel(%arg0: i32, %arg1: memref<2048x384xf32, #tpu.memory_space<vmem>>, %arg2: memref<128x8xf32, #tpu.memory_space<vmem>>, %arg3: memref<384x512xf32, #tpu.memory_space<vmem>>, %arg4: memref<8x512xf32, #tpu.memory_space<vmem>>, %arg5: memref<128x512xf32, #tpu.memory_space<vmem>>, %arg6: memref<128x512xf32, #tpu.memory_space<vmem>>, %arg7: memref<8x512xf32, #tpu.memory_space<vmem>>, %arg8: memref<8x512xf32, #tpu.memory_space<vmem>>) attributes {dimension_semantics = [#tpu.dimension_semantics<arbitrary>], iteration_bounds = array<i64: 32>, scalar_prefetch = 0 : i64, scratch_operands = 0 : i64, tpu.core_type = #tpu.core_type<tc>, window_params = [{transform_indices = @transform_0, window_bounds = array<i64: 2048, 384>}, {transform_indices = @transform_1, window_bounds = array<i64: 128, 8>}, {pipeline_mode = #tpu.pipeline_mode<synchronous>, transform_indices = @transform_2, window_bounds = array<i64: 384, 512>}, {pipeline_mode = #tpu.pipeline_mode<synchronous>, transform_indices = @transform_3, window_bounds = array<i64: 8, 512>}, {transform_indices = @transform_4, window_bounds = array<i64: 128, 512>}, {transform_indices = @transform_5, window_bounds = array<i64: 128, 512>}, {pipeline_mode = #tpu.pipeline_mode<synchronous>, transform_indices = @transform_6, window_bounds = array<i64: 8, 512>}, {pipeline_mode = #tpu.pipeline_mode<synchronous>, transform_indices = @transform_7, window_bounds = array<i64: 8, 512>}]} {
    %get3A = arith.constant 0 : index
    %get3A_0 = arith.constant 0 : index
    %get3A_1 = vector.load %arg1[%get3A, %get3A_0] : memref<2048x384xf32, #tpu.memory_space<vmem>>, vector<2048x384xf32>
    %get3A_2 = arith.constant 0 : index
    %get3A_3 = arith.constant 0 : index
    %get3A_4 = vector.load %arg3[%get3A_2, %get3A_3] : memref<384x512xf32, #tpu.memory_space<vmem>>, vector<384x512xf32>
    %dot_general3A = arith.constant dense<0.000000e+00> : vector<2048x512xf32>
    %dot_general3A_5 = tpu.matmul %get3A_1, %get3A_4, %dot_general3A {dimension_numbers = #tpu.dot_dimension_numbers<[1], [0], [0], [1], [0, 0, 1, 1], [], []>, transpose_lhs_hint = false} : vector<2048x384xf32>, vector<384x512xf32>, vector<2048x512xf32> -> vector<2048x512xf32>
    %get3A_6 = arith.constant 0 : index
    %get3A_7 = arith.constant 0 : index
    %get3A_8 = vector.load %arg2[%get3A_6, %get3A_7] : memref<128x8xf32, #tpu.memory_space<vmem>>, vector<128x8xf32>
    %get3A_9 = arith.constant 0 : index
    %get3A_10 = arith.constant 0 : index
    %get3A_11 = vector.load %arg4[%get3A_9, %get3A_10] : memref<8x512xf32, #tpu.memory_space<vmem>>, vector<8x512xf32>
    %dot_general3A_12 = arith.constant dense<0.000000e+00> : vector<128x512xf32>
    %dot_general3A_13 = tpu.matmul %get3A_8, %get3A_11, %dot_general3A_12 {dimension_numbers = #tpu.dot_dimension_numbers<[1], [0], [0], [1], [0, 0, 1, 1], [], []>, transpose_lhs_hint = false} : vector<128x8xf32>, vector<8x512xf32>, vector<128x512xf32> -> vector<128x512xf32>
    %reshape3A = vector.shape_cast %dot_general3A_5 : vector<2048x512xf32> to vector<128x16x512xf32>
    %broadcast_in_dim3A = vector.shape_cast %dot_general3A_13 : vector<128x512xf32> to vector<128x1x512xf32>
    %sub3A = vector.broadcast %broadcast_in_dim3A : vector<128x1x512xf32> to vector<128x16x512xf32>
    %sub3A_14 = arith.subf %reshape3A, %sub3A : vector<128x16x512xf32>
    %reduce_max3A = arith.constant dense<0xFF800000> : vector<128x512xf32>
    %reduce_max3A_15 = vector.multi_reduction <maximumf>, %sub3A_14, %reduce_max3A [1] : vector<128x16x512xf32> to vector<128x512xf32>
    %swap3A = arith.constant 0 : index
    %swap3A_16 = arith.constant 0 : index
    %swap3A_17 = vector.load %arg5[%swap3A, %swap3A_16] : memref<128x512xf32, #tpu.memory_space<vmem>>, vector<128x512xf32>
    tpu.vector_store %arg5[%swap3A, %swap3A_16], %reduce_max3A_15 {strides = array<i32>} : memref<128x512xf32, #tpu.memory_space<vmem>>, vector<128x512xf32>,
    %reduce_min3A = arith.constant dense<0x7F800000> : vector<128x512xf32>
    %reduce_min3A_18 = vector.multi_reduction <minimumf>, %sub3A_14, %reduce_min3A [1] : vector<128x16x512xf32> to vector<128x512xf32>
    %swap3A_19 = arith.constant 0 : index
    %swap3A_20 = arith.constant 0 : index
    %swap3A_21 = vector.load %arg6[%swap3A_19, %swap3A_20] : memref<128x512xf32, #tpu.memory_space<vmem>>, vector<128x512xf32>
    tpu.vector_store %arg6[%swap3A_19, %swap3A_20], %reduce_min3A_18 {strides = array<i32>} : memref<128x512xf32, #tpu.memory_space<vmem>>, vector<128x512xf32>,
    %reshape3A_22 = vector.shape_cast %sub3A_14 : vector<128x16x512xf32> to vector<256x8x512xf32>
    %reduce_sum3A = arith.constant dense<0.000000e+00> : vector<8x512xf32>
    %reduce_sum3A_23 = vector.multi_reduction <add>, %reshape3A_22, %reduce_sum3A [0] : vector<256x8x512xf32> to vector<8x512xf32>
    %mul3A = arith.mulf %reshape3A_22, %reshape3A_22 : vector<256x8x512xf32>
    %reduce_sum3A_24 = arith.constant dense<0.000000e+00> : vector<8x512xf32>
    %reduce_sum3A_25 = vector.multi_reduction <add>, %mul3A, %reduce_sum3A_24 [0] : vector<256x8x512xf32> to vector<8x512xf32>
    %eq3A = arith.constant 0 : i32
    %eq3A_26 = arith.cmpi eq, %arg0, %eq3A : i32
    %convert_element_type3A = arith.extui %eq3A_26 : i1 to i32
    %cond3A = arith.constant 0 : i32
    %cond3A_27 = arith.cmpi ne, %convert_element_type3A, %cond3A : i32
    scf.if %cond3A_27 {
      %broadcast_in_dim3A_41 = arith.constant 0.000000e+00 : f32
      %broadcast_in_dim3A_42 = vector.broadcast %broadcast_in_dim3A_41 : f32 to vector<8x512xf32>
      %swap3A_43 = arith.constant 0 : index
      %swap3A_44 = arith.constant 0 : index
      %swap3A_45 = vector.load %arg7[%swap3A_43, %swap3A_44] : memref<8x512xf32, #tpu.memory_space<vmem>>, vector<8x512xf32>
      tpu.vector_store %arg7[%swap3A_43, %swap3A_44], %broadcast_in_dim3A_42 {strides = array<i32>} : memref<8x512xf32, #tpu.memory_space<vmem>>, vector<8x512xf32>,
      %broadcast_in_dim3A_46 = arith.constant 0.000000e+00 : f32
      %broadcast_in_dim3A_47 = vector.broadcast %broadcast_in_dim3A_46 : f32 to vector<8x512xf32>
      %swap3A_48 = arith.constant 0 : index
      %swap3A_49 = arith.constant 0 : index
      %swap3A_50 = vector.load %arg8[%swap3A_48, %swap3A_49] : memref<8x512xf32, #tpu.memory_space<vmem>>, vector<8x512xf32>
      tpu.vector_store %arg8[%swap3A_48, %swap3A_49], %broadcast_in_dim3A_47 {strides = array<i32>} : memref<8x512xf32, #tpu.memory_space<vmem>>, vector<8x512xf32>,
    } else {
    }
    %get3A_28 = arith.constant 0 : index
    %get3A_29 = arith.constant 0 : index
    %get3A_30 = vector.load %arg7[%get3A_28, %get3A_29] : memref<8x512xf32, #tpu.memory_space<vmem>>, vector<8x512xf32>
    %add3A = arith.addf %get3A_30, %reduce_sum3A_23 : vector<8x512xf32>
    %swap3A_31 = arith.constant 0 : index
    %swap3A_32 = arith.constant 0 : index
    %swap3A_33 = vector.load %arg7[%swap3A_31, %swap3A_32] : memref<8x512xf32, #tpu.memory_space<vmem>>, vector<8x512xf32>
    tpu.vector_store %arg7[%swap3A_31, %swap3A_32], %add3A {strides = array<i32>} : memref<8x512xf32, #tpu.memory_space<vmem>>, vector<8x512xf32>,
    %get3A_34 = arith.constant 0 : index
    %get3A_35 = arith.constant 0 : index
    %get3A_36 = vector.load %arg8[%get3A_34, %get3A_35] : memref<8x512xf32, #tpu.memory_space<vmem>>, vector<8x512xf32>
    %add3A_37 = arith.addf %get3A_36, %reduce_sum3A_25 : vector<8x512xf32>
    %swap3A_38 = arith.constant 0 : index
    %swap3A_39 = arith.constant 0 : index
    %swap3A_40 = vector.load %arg8[%swap3A_38, %swap3A_39] : memref<8x512xf32, #tpu.memory_space<vmem>>, vector<8x512xf32>
    tpu.vector_store %arg8[%swap3A_38, %swap3A_39], %add3A_37 {strides = array<i32>} : memref<8x512xf32, #tpu.memory_space<vmem>>, vector<8x512xf32>,
    return
  }
  func.func @transform_0(%arg0: i32) -> (i32, i32) {
    %c0_i32 = arith.constant 0 : i32
    %c0_i32_0 = arith.constant 0 : i32
    return %arg0, %c0_i32 : i32, i32
  }
  func.func @transform_1(%arg0: i32) -> (i32, i32) {
    %c0_i32 = arith.constant 0 : i32
    %c0_i32_0 = arith.constant 0 : i32
    return %arg0, %c0_i32 : i32, i32
  }
  func.func @transform_2(%arg0: i32) -> (i32, i32) {
    %c0_i32 = arith.constant 0 : i32
    %c0_i32_0 = arith.constant 0 : i32
    %c0_i32_1 = arith.constant 0 : i32
    return %c0_i32, %c0_i32_0 : i32, i32
  }
  func.func @transform_3(%arg0: i32) -> (i32, i32) {
    %c0_i32 = arith.constant 0 : i32
    %c0_i32_0 = arith.constant 0 : i32
    %c0_i32_1 = arith.constant 0 : i32
    return %c0_i32, %c0_i32_0 : i32, i32
  }
  func.func @transform_4(%arg0: i32) -> (i32, i32) {
    %c0_i32 = arith.constant 0 : i32
    %c0_i32_0 = arith.constant 0 : i32
    return %arg0, %c0_i32 : i32, i32
  }
  func.func @transform_5(%arg0: i32) -> (i32, i32) {
    %c0_i32 = arith.constant 0 : i32
    %c0_i32_0 = arith.constant 0 : i32
    return %arg0, %c0_i32 : i32, i32
  }
  func.func @transform_6(%arg0: i32) -> (i32, i32) {
    %c0_i32 = arith.constant 0 : i32
    %c0_i32_0 = arith.constant 0 : i32
    %c0_i32_1 = arith.constant 0 : i32
    return %c0_i32, %c0_i32_0 : i32, i32
  }
  func.func @transform_7(%arg0: i32) -> (i32, i32) {
    %c0_i32 = arith.constant 0 : i32
    %c0_i32_0 = arith.constant 0 : i32
    %c0_i32_1 = arith.constant 0 : i32
    return %c0_i32, %c0_i32_0 : i32, i32
  }
}

module attributes {stable_mosaic.version = 14 : i64} {
  func.func @_bn_kernel(%arg0: i32, %arg1: memref<128x512xf32, #tpu.memory_space<vmem>>, %arg2: memref<128x512xf32, #tpu.memory_space<vmem>>, %arg3: memref<8x512xf32, #tpu.memory_space<vmem>>, %arg4: memref<8x512xf32, #tpu.memory_space<vmem>>, %arg5: memref<1x512xf32, #tpu.memory_space<vmem>>, %arg6: memref<1x512xf32, #tpu.memory_space<vmem>>, %arg7: memref<128x512xf32, #tpu.memory_space<vmem>>) attributes {dimension_semantics = [#tpu.dimension_semantics<arbitrary>], iteration_bounds = array<i64: 32>, scalar_prefetch = 0 : i64, scratch_operands = 0 : i64, tpu.core_type = #tpu.core_type<tc>, window_params = [{transform_indices = @transform_0, window_bounds = array<i64: 128, 512>}, {transform_indices = @transform_1, window_bounds = array<i64: 128, 512>}, {pipeline_mode = #tpu.pipeline_mode<synchronous>, transform_indices = @transform_2, window_bounds = array<i64: 8, 512>}, {pipeline_mode = #tpu.pipeline_mode<synchronous>, transform_indices = @transform_3, window_bounds = array<i64: 8, 512>}, {pipeline_mode = #tpu.pipeline_mode<synchronous>, transform_indices = @transform_4, window_bounds = array<i64: 1, 512>}, {pipeline_mode = #tpu.pipeline_mode<synchronous>, transform_indices = @transform_5, window_bounds = array<i64: 1, 512>}, {transform_indices = @transform_6, window_bounds = array<i64: 128, 512>}]} {
    %get3A = arith.constant 0 : index
    %get3A_0 = arith.constant 0 : index
    %get3A_1 = vector.load %arg3[%get3A, %get3A_0] : memref<8x512xf32, #tpu.memory_space<vmem>>, vector<8x512xf32>
    %reduce_sum3A = arith.constant dense<0.000000e+00> : vector<512xf32>
    %reduce_sum3A_2 = vector.multi_reduction <add>, %get3A_1, %reduce_sum3A [0] : vector<8x512xf32> to vector<512xf32>
    %broadcast_in_dim3A = vector.shape_cast %reduce_sum3A_2 : vector<512xf32> to vector<1x512xf32>
    %mul3A = arith.constant 1.52587891E-5 : f32
    %mul3A_3 = vector.broadcast %mul3A : f32 to vector<1x512xf32>
    %mul3A_4 = arith.mulf %broadcast_in_dim3A, %mul3A_3 : vector<1x512xf32>
    %get3A_5 = arith.constant 0 : index
    %get3A_6 = arith.constant 0 : index
    %get3A_7 = vector.load %arg4[%get3A_5, %get3A_6] : memref<8x512xf32, #tpu.memory_space<vmem>>, vector<8x512xf32>
    %reduce_sum3A_8 = arith.constant dense<0.000000e+00> : vector<512xf32>
    %reduce_sum3A_9 = vector.multi_reduction <add>, %get3A_7, %reduce_sum3A_8 [0] : vector<8x512xf32> to vector<512xf32>
    %broadcast_in_dim3A_10 = vector.shape_cast %reduce_sum3A_9 : vector<512xf32> to vector<1x512xf32>
    %mul3A_11 = arith.constant 1.52587891E-5 : f32
    %mul3A_12 = vector.broadcast %mul3A_11 : f32 to vector<1x512xf32>
    %mul3A_13 = arith.mulf %broadcast_in_dim3A_10, %mul3A_12 : vector<1x512xf32>
    %mul3A_14 = arith.mulf %mul3A_4, %mul3A_4 : vector<1x512xf32>
    %sub3A = arith.subf %mul3A_13, %mul3A_14 : vector<1x512xf32>
    %add3A = arith.constant 9.99999974E-6 : f32
    %add3A_15 = vector.broadcast %add3A : f32 to vector<1x512xf32>
    %add3A_16 = arith.addf %sub3A, %add3A_15 : vector<1x512xf32>
    %sqrt3A = math.sqrt %add3A_16 : vector<1x512xf32>
    %div3A = arith.constant 1.000000e+00 : f32
    %div3A_17 = vector.broadcast %div3A : f32 to vector<1x512xf32>
    %div3A_18 = arith.divf %div3A_17, %sqrt3A : vector<1x512xf32>
    %get3A_19 = arith.constant 0 : index
    %get3A_20 = arith.constant 0 : index
    %get3A_21 = vector.load %arg5[%get3A_19, %get3A_20] : memref<1x512xf32, #tpu.memory_space<vmem>>, vector<1x512xf32>
    %mul3A_22 = arith.mulf %get3A_21, %div3A_18 : vector<1x512xf32>
    %get3A_23 = arith.constant 0 : index
    %get3A_24 = arith.constant 0 : index
    %get3A_25 = vector.load %arg6[%get3A_23, %get3A_24] : memref<1x512xf32, #tpu.memory_space<vmem>>, vector<1x512xf32>
    %mul3A_26 = arith.mulf %mul3A_4, %mul3A_22 : vector<1x512xf32>
    %sub3A_27 = arith.subf %get3A_25, %mul3A_26 : vector<1x512xf32>
    %get3A_28 = arith.constant 0 : index
    %get3A_29 = arith.constant 0 : index
    %get3A_30 = vector.load %arg1[%get3A_28, %get3A_29] : memref<128x512xf32, #tpu.memory_space<vmem>>, vector<128x512xf32>
    %mul3A_31 = vector.broadcast %mul3A_22 : vector<1x512xf32> to vector<128x512xf32>
    %mul3A_32 = arith.mulf %get3A_30, %mul3A_31 : vector<128x512xf32>
    %add3A_33 = vector.broadcast %sub3A_27 : vector<1x512xf32> to vector<128x512xf32>
    %add3A_34 = arith.addf %mul3A_32, %add3A_33 : vector<128x512xf32>
    %max3A = arith.constant 0.000000e+00 : f32
    %max3A_35 = vector.broadcast %max3A : f32 to vector<128x512xf32>
    %max3A_36 = arith.maximumf %add3A_34, %max3A_35 : vector<128x512xf32>
    %get3A_37 = arith.constant 0 : index
    %get3A_38 = arith.constant 0 : index
    %get3A_39 = vector.load %arg2[%get3A_37, %get3A_38] : memref<128x512xf32, #tpu.memory_space<vmem>>, vector<128x512xf32>
    %mul3A_40 = vector.broadcast %mul3A_22 : vector<1x512xf32> to vector<128x512xf32>
    %mul3A_41 = arith.mulf %get3A_39, %mul3A_40 : vector<128x512xf32>
    %add3A_42 = vector.broadcast %sub3A_27 : vector<1x512xf32> to vector<128x512xf32>
    %add3A_43 = arith.addf %mul3A_41, %add3A_42 : vector<128x512xf32>
    %max3A_44 = arith.constant 0.000000e+00 : f32
    %max3A_45 = vector.broadcast %max3A_44 : f32 to vector<128x512xf32>
    %max3A_46 = arith.maximumf %add3A_43, %max3A_45 : vector<128x512xf32>
    %ge3A = arith.constant 0.000000e+00 : f32
    %ge3A_47 = vector.broadcast %ge3A : f32 to vector<1x512xf32>
    %ge3A_48 = arith.cmpf oge, %get3A_21, %ge3A_47 : vector<1x512xf32>
    %broadcast_in_dim3A_49 = vector.shape_cast %ge3A_48 : vector<1x512xi1> to vector<1x512xi1>
    %broadcast_in_dim3A_50 = vector.broadcast %broadcast_in_dim3A_49 : vector<1x512xi1> to vector<128x512xi1>
    %select_n3A = arith.select %broadcast_in_dim3A_50, %max3A_36, %max3A_46 : vector<128x512xi1>, vector<128x512xf32>
    %swap3A = arith.constant 0 : index
    %swap3A_51 = arith.constant 0 : index
    %swap3A_52 = vector.load %arg7[%swap3A, %swap3A_51] : memref<128x512xf32, #tpu.memory_space<vmem>>, vector<128x512xf32>
    tpu.vector_store %arg7[%swap3A, %swap3A_51], %select_n3A {strides = array<i32>} : memref<128x512xf32, #tpu.memory_space<vmem>>, vector<128x512xf32>,
    return
  }
  func.func @transform_0(%arg0: i32) -> (i32, i32) {
    %c0_i32 = arith.constant 0 : i32
    %c0_i32_0 = arith.constant 0 : i32
    return %arg0, %c0_i32 : i32, i32
  }
  func.func @transform_1(%arg0: i32) -> (i32, i32) {
    %c0_i32 = arith.constant 0 : i32
    %c0_i32_0 = arith.constant 0 : i32
    return %arg0, %c0_i32 : i32, i32
  }
  func.func @transform_2(%arg0: i32) -> (i32, i32) {
    %c0_i32 = arith.constant 0 : i32
    %c0_i32_0 = arith.constant 0 : i32
    %c0_i32_1 = arith.constant 0 : i32
    return %c0_i32, %c0_i32_0 : i32, i32
  }
  func.func @transform_3(%arg0: i32) -> (i32, i32) {
    %c0_i32 = arith.constant 0 : i32
    %c0_i32_0 = arith.constant 0 : i32
    %c0_i32_1 = arith.constant 0 : i32
    return %c0_i32, %c0_i32_0 : i32, i32
  }
  func.func @transform_4(%arg0: i32) -> (i32, i32) {
    %c0_i32 = arith.constant 0 : i32
    %c0_i32_0 = arith.constant 0 : i32
    %c0_i32_1 = arith.constant 0 : i32
    return %c0_i32, %c0_i32_0 : i32, i32
  }
  func.func @transform_5(%arg0: i32) -> (i32, i32) {
    %c0_i32 = arith.constant 0 : i32
    %c0_i32_0 = arith.constant 0 : i32
    %c0_i32_1 = arith.constant 0 : i32
    return %c0_i32, %c0_i32_0 : i32, i32
  }
  func.func @transform_6(%arg0: i32) -> (i32, i32) {
    %c0_i32 = arith.constant 0 : i32
    %c0_i32_0 = arith.constant 0 : i32
    return %arg0, %c0_i32 : i32, i32
  }
}

</mosaic_0001>

<sc_bundles>
// kernel: kernel.11.cloned.1.call-start
scs
__scs_entry_jumppad:
0x0: {  	(pc) =	sbr.rel $0x88, $3  }
0x1: {  	(tag) =	ssettag $0x0;
	lr =	simm.s32 $0x1  }
0x2: {  	[smem:$0x3F9C] =	sst lr;
	_ =	strace $0xD0000000  }
0x3: {  	_ = 	snop  }
0x4: {  	_ = 	snop  }
0x5: {  	_ = 	snop  }
0x6: {  	_ = 	snop  }
0x7: {  	_ = 	snop  }
__scs_overlays_trampoline_lowered:
0x8: {  	[smem:$0x3FAB] =	sst s0  }
0x9: {  	[smem:$0x3FAC] =	sst s1  }
0xa: {  	[smem:$0x3FAD] =	sst s2  }
0xb: {  	[smem:$0x3FAE] =	sst s3  }
0xc: {  	[smem:$0x3FAF] =	sst s4  }
0xd: {  	[smem:$0x3FB0] =	sst s5  }
0xe: {  	[smem:$0x3FB1] =	sst s6  }
0xf: {  	[smem:$0x3FB2] =	sst s7  }
0x10: {  	[smem:$0x3FB3] =	sst s8  }
0x11: {  	[smem:$0x3FB4] =	sst s9;
	s0 =	simm.s32 @!p0 $0x0  }
0x12: {  	s1 =	sld [smem:$0x3F9A];
	s0 =	simm.s32 @p0 $0x1  }
0x13: {  	[smem:$0x3FB5] =	sst s0;
	s0 =	simm.s32 @!p1 $0x0  }
0x14: {  	s2 =	sld [smem:$0x3F99];
	s0 =	simm.s32 @p1 $0x1  }
0x15: {  	[smem:$0x3FB6] =	sst s0;
	s0 =	simm.s32 @!p2 $0x0  }
0x16: {  	s3 =	sld [smem:$0x3FDB];
	s0 =	simm.s32 @p2 $0x1  }
0x17: {  	s4 =	simm.s32 $0x1BF5;
	[smem:$0x3FB8] =	sst s0  }
0x18: {  	s0 =	sld [smem:$0x3F9B];
	_ =	swait.ge [sflag:s4], $0x0  }
0x19: {  	s7 =	sld [smem:$0x3F9C]  }
0x1a: {  	s8 =	sadd.s32 $0xFFFFE003, lr  }
0x1b: {  	s9 =	sadd.s32 $0xFFFFFEF7, lr;
	s5 =	simm.s32 $0xFFFFFFFF;
	p2 =	slt.u32 s8, $0xFFFFF086  }
0x1c: {  	p1 =	slt.u32 s9, $0xF7A;
	s5 =	simm.s32 @!p2 $0x0  }
0x1d: {  	s5 =	simm.s32 @p1 $0x1;
	p0 =	seq.s32 s7, s2  }
0x1e: {  	s7 =	smul.u32 @!p0 $0xF7A, s2;
	p2 =	seq.s32 @!p0 s5, $0x0  }
0x1f: {  	s9 =	smul.u32 $0xF7A, s1;
	s8 =	simm.s32 @!p0 $0x1BF5;
	p2 =	por !p2, p0  }
0x20: {  	[sflag:s8] =	ssyncset.s32 @!p0 $0xFFFFF086;
	s6 =	sadd.s32 @!p0 s3, s7;
	s7 =	simm.s32 @!p0 $0x108  }
0x21: {  	s3 =	sadd.s32 s3, s9;
	s6 =	sadd.s32 @!p0 $0x88, s6;
	s7 =	simm.s32 @p2 $0x1082  }
0x22: {  	[simem:s7], [sflag:s8] =	dma.local @!p0 [hbm:s6], $0xF7A  }
0x23: {  	s9 =	sor.u32 $0xD0000000, s2;
	s6 =	simm.s32 $0x108;
	_ =	swait.ge @!p0 [sflag:s8], $0x0  }
0x24: {  	s3 =	sadd.s32 $0x88, s3;
	s6 =	simm.s32 @!p1 $0x1082;
	[sflag:s4] =	ssyncset.s32 $0xFFFFF086  }
0x25: {  	[simem:s6], [sflag:s4] =	dma.local [hbm:s3], $0xF7A  }
0x26: {  	[smem:$0x3F9C] =	sst s1;
	(tag) =	ssettag s2;
	_ =	strace s9  }
0x27: {  	s1 =	sld [smem:$0x3FAC]  }
0x28: {  	s2 =	sld [smem:$0x3FAD]  }
0x29: {  	s4 =	sld [smem:$0x3FAF]  }
0x2a: {  	p0 =	seq.s32 s5, $0x0;
	s5 =	sld [smem:$0x3FB0]  }
0x2b: {  	s6 =	sld [smem:$0x3FB1]  }
0x2c: {  	s7 =	sld [smem:$0x3FB2]  }
0x2d: {  	s3 =	simm.s32 $0x108;
	s8 =	sld [smem:$0x3FB3]  }
0x2e: {  	s3 =	simm.s32 @!p0 $0x1082;
	s9 =	sld [smem:$0x3FB4]  }
0x2f: {  	lr =	sadd.s32 s0, s3;
	s0 =	sld [smem:$0x3FAB]  }
0x30: {  	s3 =	sld [smem:$0x3FAE]  }
0x31: {  	[smem:$0x3FB7] =	sst s10  }
0x32: {  	s10 =	sld [smem:$0x3FB5];
	_ =	sdelay $0x3  }
0x33: {  	p0 =	seq.s32 s10, $0x1;
	s10 =	sld [smem:$0x3FB7];
	_ =	sdelay $0x3  }
0x34: {  	[smem:$0x3FB7] =	sst s10  }
0x35: {  	s10 =	sld [smem:$0x3FB6];
	_ =	sdelay $0x3  }
0x36: {  	p1 =	seq.s32 s10, $0x1;
	s10 =	sld [smem:$0x3FB7];
	_ =	sdelay $0x3  }
0x37: {  	[smem:$0x3FB7] =	sst s10  }
0x38: {  	s10 =	sld [smem:$0x3FB8]  }
0x39: {  	_ = 	snop;
	(pc) =	sbr.ind lr, $3  }
0x3a: {  	_ = 	snop  }
0x3b: {  	_ = 	snop  }
0x3c: {  	p2 =	seq.s32 s10, $0x1;
	s10 =	sld [smem:$0x3FB7]  }
0x3d: {  	_ =	shalt  }
0x3e: {  	_ =	shalt  }
0x3f: {  	_ =	shalt  }
0x40: {  	_ =	shalt  }
0x41: {  	_ =	shalt  }
0x42: {  	_ =	shalt  }
0x43: {  	_ =	shalt  }
0x44: {  	_ =	shalt  }
0x45: {  	_ =	shalt  }
0x46: {  	_ =	shalt  }
0x47: {  	_ =	shalt  }
0x48: {  	_ =	shalt  }
0x49: {  	_ =	shalt  }
0x4a: {  	_ =	shalt  }
0x4b: {  	_ =	shalt  }
0x4c: {  	_ =	shalt  }
0x4d: {  	_ =	shalt  }
0x4e: {  	_ =	shalt  }
0x4f: {  	_ =	shalt  }
0x50: {  	_ =	shalt  }
0x51: {  	_ =	shalt  }
0x52: {  	_ =	shalt  }
0x53: {  	_ =	shalt  }
0x54: {  	_ =	shalt  }
0x55: {  	_ =	shalt  }
0x56: {  	_ =	shalt  }
0x57: {  	_ =	shalt  }
0x58: {  	_ =	shalt  }
0x59: {  	_ =	shalt  }
0x5a: {  	_ =	shalt  }
0x5b: {  	_ =	shalt  }
0x5c: {  	_ =	shalt  }
0x5d: {  	_ =	shalt  }
0x5e: {  	_ =	shalt  }
0x5f: {  	_ =	shalt  }
0x60: {  	_ =	shalt  }
0x61: {  	_ =	shalt  }
0x62: {  	_ =	shalt  }
0x63: {  	_ =	shalt  }
0x64: {  	_ =	shalt  }
0x65: {  	_ =	shalt  }
0x66: {  	_ =	shalt  }
0x67: {  	_ =	shalt  }
0x68: {  	_ =	shalt  }
0x69: {  	_ =	shalt  }
0x6a: {  	_ =	shalt  }
0x6b: {  	_ =	shalt  }
0x6c: {  	_ =	shalt  }
0x6d: {  	_ =	shalt  }
0x6e: {  	_ =	shalt  }
0x6f: {  	_ =	shalt  }
0x70: {  	_ =	shalt  }
0x71: {  	_ =	shalt  }
0x72: {  	_ =	shalt  }
0x73: {  	_ =	shalt  }
0x74: {  	_ =	shalt  }
0x75: {  	_ =	shalt  }
0x76: {  	_ =	shalt  }
0x77: {  	_ =	shalt  }
0x78: {  	_ =	shalt  }
0x79: {  	_ =	shalt  }
0x7a: {  	_ =	shalt  }
0x7b: {  	_ =	shalt  }
0x7c: {  	_ =	shalt  }
0x7d: {  	_ =	shalt  }
0x7e: {  	_ =	shalt  }
0x7f: {  	_ =	shalt  }
0x80: {  	_ =	shalt  }
0x81: {  	_ =	shalt  }
0x82: {  	_ =	shalt  }
0x83: {  	_ =	shalt  }
0x84: {  	_ =	shalt  }
0x85: {  	_ =	shalt  }
0x86: {  	_ =	shalt  }
0x87: {  	_ =	shalt  }
.Lfunc_end0:
.L_simem_size_0:
called_computation.1_lowered:
.L_overlay_start_0:
0x88: {  	s2 =	sld [smem:$0x3FD9]  }
0x89: {  	s3 =	sld [smem:$0x3FFE];
	_ =	sdelay $0x1  }
0x8a: {  	s1 =	srdreg.scid  }
0x8b: {  	s0 =	sand.u32 $0x1, s1  }
0x8c: {  	s16 =	sshll.u32 s0, $0xA;
	s2 =	sadd.s32 s3, s2  }
0x8d: {  	s2 =	sadd.s32 s2, s16  }
0x8e: {  	[smem:$0x3FC3] =	sst s2  }
0x8f: {  	_ = 	snop  }
0x90: {  	(tm) =	ssettm $0x1  }
0x91: {  	s17 =	sld [smem:$0x3FFB];
	_ =	sdelay $0x3  }
0x92: {  	_ =	strace s17  }
0x93: {  	s2 =	sld [smem:$0x3FFC];
	_ =	sdelay $0x3  }
0x94: {  	_ =	strace s2  }
0x95: {  	s2 =	sld [smem:$0x3FFD];
	_ =	sdelay $0x3  }
0x96: {  	_ =	strace s2  }
0x97: {  	_ =	strace $0x8FFFFFFF  }
0x98: {  	s18 =	sld [smem:$0x3FDB];
	_ =	sdelay $0x1  }
0x99: {  	s19 =	simm.s32 $_scs_section_size  }
0x9a: {  	s4 =	simm.s32 $_size__tile_overlayer_lowered;
	s5 =	simm.s32 $_tile_overlayer_lowered  }
0x9b: {  	s22 =	simm.s32 $0x1BFF;
	s21 =	sshll.u32 s5, $0x1;
	s2 =	sadd.s32 s19, s18  }
0x9c: {  	s6 =	simm.s32 $0x0;
	s20 =	sshll.u32 s4, $0x1;
	s4 =	sadd.s32 s21, s2  }
0x9d: {  	[timem:s6], [sflag:s22] =	dma.local [hbm:s4], s20  }
0x9e: {  	_ =	swait.ge [sflag:s22], s20  }
0x9f: {  	s3 =	ssub.s32 $0x0, s20;
	[sflag:s22] =	ssyncset.done $0x0  }
0xa0: {  	[sflag:s22] =	ssyncadd.s32 s3;
	_ =	sdelay $0x1  }
0xa1: {  	s23 =	simm.s32 $0x1B8B  }
0xa2: {  	_ =	swait.ge [sflag:s23], $0x1  }
0xa3: {  	[sflag:s23] =	ssyncset.done $0x0  }
0xa4: {  	s25 =	simm.s32 $0x1B8E;
	s24 =	sld [smem:$0x3FFE];
	[sflag:s23] =	ssyncadd.s32 $0xFFFFFFFF  }
0xa5: {  	s26 =	simm.s32 $execute0_lowered;
	[smem:$0x3FD2] =	sst s25  }
0xa6: {  	s4 =	sshll.u32 s26, $0x1;
	_ =	strace $0x80000049;
	[dreg:$0x1] =	wrdreg $0xFFFFFFFF  }
0xa7: {  	s28 =	simm.s32 $_size_execute0_lowered;
	s2 =	sadd.s32 s2, s4;
	[dreg:$0x0] =	wrdreg $0x0  }
0xa8: {  	s4 =	sshll.u32 s28, $0x1;
	[dreg:$0x2] =	wrdreg s2  }
0xa9: {  	[dreg:$0x3] =	wrdreg s4  }
0xaa: {  	[dreg:$0x4] =	wrdreg $0xC0  }
0xab: {  	_ =	task [dreg:s6], $0x5FFFF  }
0xac: {  	[dreg:$0x1] =	wrdreg $0xFFFFFFFF  }
0xad: {  	[dreg:$0x0] =	wrdreg $0x60  }
0xae: {  	[dreg:$0x2] =	wrdreg s24  }
0xaf: {  	[dreg:$0x3] =	wrdreg $0x9  }
0xb0: {  	_ =	task.clear_ibuf [dreg:s6], $0x4FFFF;
	_ =	strace $0x90000049  }
0xb1: {  	s29 =	simm.s32 $0x9;
	_ =	strace $0x8000004B  }
0xb2: {  	_ =	swait.ge [sflag:s29], $0x1  }
0xb3: {  	[sflag:s29] =	ssyncadd.s32 $0xFFFFFFFF  }
0xb4: {  	_ =	strace $0x9000004B  }
0xb5: {  	_ =	sfence  }
0xb6: {  	s30 =	sld [smem:$0x0];
	_ =	sdelay $0x2  }
0xb7: {  	s31 =	sshll.u32 s1, $0xD;
	s1 =	sshrl.u32 s1, $0x2  }
0xb8: {  	s3 =	sand.u32 $0x4000, s31;
	s1 =	sadd.s32 s1, s30  }
0xb9: {  	s0 =	sor.u32 s3, s0;
	s1 =	sshll.u32 s1, $0x11  }
0xba: {  	s0 =	sor.u32 s1, s0  }
0xbb: {  	s0 =	sadd.s32 $0x8F2B, s0  }
0xbc: {  	[sflag:s0] =	ssyncadd.remote.s32 $0x1  }
0xbd: {  	_ =	sfence.sel $0xFFFF  }
0xbe: {  	[dreg:$0x0] =	wrdreg $0xFFFFFFFF;
	(pc) =	sbr.abs _section_cstart, $3  }
0xbf: {  	[dreg:$0x1] =	wrdreg $0xFFFFFFFF  }
0xc0: {  	_ =	task.clear_ibuf [dreg:s6], $0x2FFFF;
	_ =	strace $0x9FFFFFFF  }
0xc1: {  	(tm) =	ssettm $0x7FFFFFFF  }
tec
execute0_lowered:
.L_overlay_start_1:
0x0: {  	(tag) =	ssettag $0x1  }
0x1: {  	s0 =	srdreg.scid  }
0x2: {  	s2 =	stileid.u32;
	s1 =	sand.u32 $0x1, s0  }
0x3: {  	s5 =	sshll.u32 s2, $0xC;
	s2 =	simm.s32 $0x0;
	s6 =	sshll.u32 s1, $0xB  }
0x4: {  	[smem:$0x7FF] =	sst s2;
	s0 =	sor.u32 s6, s5  }
0x5: {  	s7 =	simm.s32 $0x1000;
	s4 =	sshrl.u32 s0, $0x3;
	s0 =	rddreg [dreg:$0x0]  }
0x6: {  	s8 =	simm.s32 $0x1400;
	_ =	strace $0x8000004A;
	[dreg:$0x3] =	wrdreg s7  }
0x7: {  	s9 =	simm.s32 $0x1C00;
	[dreg:$0x4] =	wrdreg s8  }
0x8: {  	s10 =	simm.s32 $0x2000;
	[dreg:$0x5] =	wrdreg s9  }
0x9: {  	s11 =	simm.s32 $0x2800;
	[dreg:$0x6] =	wrdreg s10  }
0xa: {  	s12 =	simm.s32 $0x2C00;
	[dreg:$0x7] =	wrdreg s11  }
0xb: {  	s13 =	simm.s32 $0x3400;
	[dreg:$0x8] =	wrdreg s12  }
0xc: {  	s14 =	simm.s32 $0x3800;
	[dreg:$0x9] =	wrdreg s13  }
0xd: {  	s15 =	simm.s32 $0x4000;
	[dreg:$0xa] =	wrdreg s14  }
0xe: {  	s16 =	simm.s32 $0x4400;
	[dreg:$0xb] =	wrdreg s15  }
0xf: {  	s17 =	simm.s32 $0x4C00;
	[dreg:$0xc] =	wrdreg s16  }
0x10: {  	s18 =	simm.s32 $0x5000;
	[dreg:$0xd] =	wrdreg s17  }
0x11: {  	s19 =	simm.s32 $0x5800;
	[dreg:$0xe] =	wrdreg s18  }
0x12: {  	s20 =	simm.s32 $0x5C00;
	[dreg:$0xf] =	wrdreg s19  }
0x13: {  	s21 =	simm.s32 $0x6400;
	[dreg:$0x10] =	wrdreg s20  }
0x14: {  	s22 =	simm.s32 $0x6800;
	[dreg:$0x11] =	wrdreg s21  }
0x15: {  	s23 =	simm.s32 $0x7000;
	[dreg:$0x12] =	wrdreg s22  }
0x16: {  	s24 =	simm.s32 $0x7400;
	[dreg:$0x13] =	wrdreg s23  }
0x17: {  	s25 =	simm.s32 $0x7C00;
	[dreg:$0x14] =	wrdreg s24  }
0x18: {  	s26 =	simm.s32 $0x8000;
	[dreg:$0x15] =	wrdreg s25  }
0x19: {  	s5 =	simm.s32 $0x8800;
	[dreg:$0x16] =	wrdreg s26  }
0x1a: {  	s6 =	simm.s32 $0x8C00;
	[dreg:$0x17] =	wrdreg s5  }
0x1b: {  	[dreg:$0x18] =	wrdreg s6;
	s7 =	simm.s32 $0x9400  }
0x1c: {  	s8 =	simm.s32 $0x9800;
	[dreg:$0x19] =	wrdreg s7  }
0x1d: {  	s9 =	simm.s32 $0xA000;
	[dreg:$0x1a] =	wrdreg s8  }
0x1e: {  	s10 =	simm.s32 $0xA400;
	[dreg:$0x1b] =	wrdreg s9  }
0x1f: {  	s11 =	simm.s32 $0xAC00;
	[dreg:$0x1c] =	wrdreg s10  }
0x20: {  	s12 =	simm.s32 $0xB000;
	[dreg:$0x1d] =	wrdreg s11  }
0x21: {  	s13 =	simm.s32 $0xB800;
	[dreg:$0x1e] =	wrdreg s12  }
0x22: {  	s14 =	simm.s32 $0xBC00;
	[dreg:$0x1f] =	wrdreg s13  }
0x23: {  	s15 =	simm.s32 $0xC400;
	[smem:$0x7EE] =	sst s14  }
0x24: {  	s28 =	simm.s32 $0x17C00;
	s16 =	simm.s32 $0xC800;
	[smem:$0x7EF] =	sst s15  }
0x25: {  	s29 =	simm.s32 $0x18400;
	s17 =	simm.s32 $0xD000;
	[smem:$0x7F0] =	sst s16  }
0x26: {  	s30 =	simm.s32 $0x1;
	s5 =	simm.s32 $0xD400;
	[smem:$0x7F1] =	sst s17  }
0x27: {  	s31 =	simm.s32 $0x0;
	s18 =	simm.s32 $0xDC00;
	[smem:$0x7F2] =	sst s5  }
0x28: {  	s1 =	ssub.s32 $0x2, s1;
	s19 =	simm.s32 $0xE000;
	[smem:$0x7F3] =	sst s18  }
0x29: {  	s20 =	simm.s32 $0xE800;
	s6 =	sshrl.u32 s1, $0x1;
	[smem:$0x7F4] =	sst s19  }
0x2a: {  	s21 =	simm.s32 $0xEC00;
	s22 =	simm.s32 $0xF400;
	[smem:$0x7F5] =	sst s20  }
0x2b: {  	s23 =	simm.s32 $0xF800;
	s24 =	simm.s32 $0x10000;
	[smem:$0x7F6] =	sst s21  }
0x2c: {  	s25 =	simm.s32 $0x10400;
	s26 =	simm.s32 $0x10C00;
	[smem:$0x7F8] =	sst s22  }
0x2d: {  	s3 =	smul.u32 $0x180, s4;
	s4 =	sadd.s32 s4, s0;
	[smem:$0x7F9] =	sst s23  }
0x2e: {  	s1 =	ssub.s32 s1, s6;
	s5 =	sadd.s32 $0x803500, s0;
	[smem:$0x7FB] =	sst s24  }
0x2f: {  	s7 =	simm.s32 $0x2;
	[smem:$0x7FC] =	sst s25;
	s8 =	simm.s32 $0x800  }
0x30: {  	[smem:$0x7FD] =	sst s26;
	s9 =	simm.s32 $0x11000;
	s10 =	simm.s32 $0x11800  }
0x31: {  	s11 =	simm.s32 $0x11C00;
	s12 =	simm.s32 $0x12400;
	s13 =	simm.s32 $0x12800  }
0x32: {  	s14 =	simm.s32 $0x13000;
	s15 =	simm.s32 $0x13400;
	s16 =	simm.s32 $0x13C00  }
0x33: {  	s17 =	simm.s32 $0x14000;
	s18 =	simm.s32 $0x14800;
	s19 =	simm.s32 $0x14C00  }
0x34: {  	s20 =	simm.s32 $0x15400;
	s21 =	simm.s32 $0x15800;
	s22 =	simm.s32 $0x16000  }
0x35: {  	s23 =	simm.s32 $0x16400;
	s24 =	simm.s32 $0x16C00;
	s4 =	sadd.s32 $0x801400, s4  }
0x36: {  	v2 =	vlaneseq.u32;
	s1 =	smax.u32 s1, $0x1;
	s3 =	sadd.s32 s3, s0;
	[smem:$0x7F7] =	sst s4  }
0x37: {  	vm0 =	vmmov $0xffff;
	vm1 =	vmmov $0xff;
	v1 =	vshrl.u32 v2, $0x3;
	s25 =	simm.s32 $0x17000;
	[smem:$0x7FA] =	sst s1;
	s3 =	sadd.s32 $0x1400, s3  }
0x38: {  	v0 =	vand.u32 $0x7, v2;
	v2 =	vor.u32 $0x8, v2;
	v1 =	vmul.u32 $0x8, v1;
	s26 =	simm.s32 $0x17800;
	[dreg:$0x2] =	wrdreg s3;
	s3 =	sadd.s32 $0x803400, s0  }
.LBB2_1:
0x39: {  	s0 =	sld [smem:$0x7F7];
	_ =	sdelay $0x2  }
0x3a: {  	[tilespmem:s2], [sflag:$0x2] =	stream.linear.gather [hbm4b:s0+s2], $0x800, $0x38;
	[tilespmem:$0x18800] =	vst v63  }
0x3b: {  	_ =	swait.ge [sflag:s7], $0x800  }
0x3c: {  	[sflag:s7] =	ssyncset.done $0x0  }
0x3d: {  	s1 =	simm.s32 $0x80;
	s0 =	simm.s32 $0x0;
	[sflag:s7] =	ssyncadd.s32 $0xFFFFF800  }
.LBB2_2:
0x3e: {  	v3 =	vld [tilespmem:s1+$0xFFFFFF80];
	_ =	sdelay $0x4  }
0x3f: {  	v4 =	vshrl.u32 v3, $0x3  }
0x40: {  	v4 =	vmul.u32 $0x18, v4  }
0x41: {  	v3 =	vand.u32 $0x7, v3  }
0x42: {  	v3 =	vor.u32 v3, v4  }
0x43: {  	v4 =	vperm.xlane v3, v0;
	_ =	sdelay $0x1  }
0x44: {  	v4 =	vadd.s32 v1, v4;
	_ =	sdelay $0x1  }
0x45: {  	v3 =	vperm.xlane v3, v2;
	_ =	sdelay $0x1  }
0x46: {  	v3 =	vadd.s32 v1, v3  }
0x47: {  	[tilespmem:s8], [sflag:$0x1] =	stream.indirect_vreg.gather [hbm4b:s3+s2], $0x80, v4, vm0, $0xb8;
	[tilespmem:$0x18800] =	vst v63  }
0x48: {  	s4 =	rddreg [dreg:$0x3]  }
0x49: {  	[tilespmem:s4], [sflag:$0x1] =	stream.indirect_vreg.gather [hbm4b:s5+s2], $0x80, v4, vm1, $0xb8;
	[tilespmem:$0x18800] =	vst v63  }
0x4a: {  	s6 =	rddreg [dreg:$0x4]  }
0x4b: {  	[tilespmem:s6], [sflag:$0x1] =	stream.indirect_vreg.gather [hbm4b:s3+s2], $0x80, v3, vm0, $0xb8;
	[tilespmem:$0x18800] =	vst v63  }
0x4c: {  	s4 =	rddreg [dreg:$0x5]  }
0x4d: {  	[tilespmem:s4], [sflag:$0x1] =	stream.indirect_vreg.gather [hbm4b:s5+s2], $0x80, v3, vm1, $0xb8;
	[tilespmem:$0x18800] =	vst v63  }
0x4e: {  	v3 =	vld [tilespmem:s1+$0xFFFFFF90];
	_ =	sdelay $0x4  }
0x4f: {  	v49 =	vshrl.u32 v3, $0x3  }
0x50: {  	v4 =	vmul.u32 $0x18, v49  }
0x51: {  	v3 =	vand.u32 $0x7, v3  }
0x52: {  	v3 =	vor.u32 v3, v4  }
0x53: {  	v4 =	vperm.xlane v3, v0;
	_ =	sdelay $0x1  }
0x54: {  	v4 =	vadd.s32 v1, v4;
	_ =	sdelay $0x1  }
0x55: {  	v3 =	vperm.xlane v3, v2;
	_ =	sdelay $0x1  }
0x56: {  	s4 =	rddreg [dreg:$0x6];
	v3 =	vadd.s32 v1, v3  }
0x57: {  	[tilespmem:s4], [sflag:$0x1] =	stream.indirect_vreg.gather [hbm4b:s3+s2], $0x80, v4, vm0, $0xb8;
	[tilespmem:$0x18800] =	vst v63  }
0x58: {  	s6 =	rddreg [dreg:$0x7]  }
0x59: {  	[tilespmem:s6], [sflag:$0x1] =	stream.indirect_vreg.gather [hbm4b:s5+s2], $0x80, v4, vm1, $0xb8;
	[tilespmem:$0x18800] =	vst v63  }
0x5a: {  	s4 =	rddreg [dreg:$0x8]  }
0x5b: {  	[tilespmem:s4], [sflag:$0x1] =	stream.indirect_vreg.gather [hbm4b:s3+s2], $0x80, v3, vm0, $0xb8;
	[tilespmem:$0x18800] =	vst v63  }
0x5c: {  	s6 =	rddreg [dreg:$0x9]  }
0x5d: {  	[tilespmem:s6], [sflag:$0x1] =	stream.indirect_vreg.gather [hbm4b:s5+s2], $0x80, v3, vm1, $0xb8;
	[tilespmem:$0x18800] =	vst v63  }
0x5e: {  	v3 =	vld [tilespmem:s1+$0xFFFFFFA0];
	_ =	sdelay $0x4  }
0x5f: {  	v50 =	vshrl.u32 v3, $0x3  }
0x60: {  	v4 =	vmul.u32 $0x18, v50  }
0x61: {  	v3 =	vand.u32 $0x7, v3  }
0x62: {  	v3 =	vor.u32 v3, v4  }
0x63: {  	v4 =	vperm.xlane v3, v0;
	_ =	sdelay $0x1  }
0x64: {  	v4 =	vadd.s32 v1, v4;
	_ =	sdelay $0x1  }
0x65: {  	v3 =	vperm.xlane v3, v2;
	_ =	sdelay $0x1  }
0x66: {  	s4 =	rddreg [dreg:$0xa];
	v3 =	vadd.s32 v1, v3  }
0x67: {  	[tilespmem:s4], [sflag:$0x1] =	stream.indirect_vreg.gather [hbm4b:s3+s2], $0x80, v4, vm0, $0xb8;
	[tilespmem:$0x18800] =	vst v63  }
0x68: {  	s6 =	rddreg [dreg:$0xb]  }
0x69: {  	[tilespmem:s6], [sflag:$0x1] =	stream.indirect_vreg.gather [hbm4b:s5+s2], $0x80, v4, vm1, $0xb8;
	[tilespmem:$0x18800] =	vst v63  }
0x6a: {  	s4 =	rddreg [dreg:$0xc]  }
0x6b: {  	[tilespmem:s4], [sflag:$0x1] =	stream.indirect_vreg.gather [hbm4b:s3+s2], $0x80, v3, vm0, $0xb8;
	[tilespmem:$0x18800] =	vst v63  }
0x6c: {  	s6 =	rddreg [dreg:$0xd]  }
0x6d: {  	[tilespmem:s6], [sflag:$0x1] =	stream.indirect_vreg.gather [hbm4b:s5+s2], $0x80, v3, vm1, $0xb8;
	[tilespmem:$0x18800] =	vst v63  }
0x6e: {  	v3 =	vld [tilespmem:s1+$0xFFFFFFB0];
	_ =	sdelay $0x4  }
0x6f: {  	v51 =	vshrl.u32 v3, $0x3  }
0x70: {  	v4 =	vmul.u32 $0x18, v51  }
0x71: {  	v3 =	vand.u32 $0x7, v3  }
0x72: {  	v3 =	vor.u32 v3, v4  }
0x73: {  	v4 =	vperm.xlane v3, v0;
	_ =	sdelay $0x1  }
0x74: {  	v4 =	vadd.s32 v1, v4;
	_ =	sdelay $0x1  }
0x75: {  	v3 =	vperm.xlane v3, v2;
	_ =	sdelay $0x1  }
0x76: {  	s4 =	rddreg [dreg:$0xe];
	v3 =	vadd.s32 v1, v3  }
0x77: {  	[tilespmem:s4], [sflag:$0x1] =	stream.indirect_vreg.gather [hbm4b:s3+s2], $0x80, v4, vm0, $0xb8;
	[tilespmem:$0x18800] =	vst v63  }
0x78: {  	s6 =	rddreg [dreg:$0xf]  }
0x79: {  	[tilespmem:s6], [sflag:$0x1] =	stream.indirect_vreg.gather [hbm4b:s5+s2], $0x80, v4, vm1, $0xb8;
	[tilespmem:$0x18800] =	vst v63  }
0x7a: {  	s4 =	rddreg [dreg:$0x10]  }
0x7b: {  	[tilespmem:s4], [sflag:$0x1] =	stream.indirect_vreg.gather [hbm4b:s3+s2], $0x80, v3, vm0, $0xb8;
	[tilespmem:$0x18800] =	vst v63  }
0x7c: {  	s6 =	rddreg [dreg:$0x11]  }
0x7d: {  	[tilespmem:s6], [sflag:$0x1] =	stream.indirect_vreg.gather [hbm4b:s5+s2], $0x80, v3, vm1, $0xb8;
	[tilespmem:$0x18800] =	vst v63  }
0x7e: {  	v3 =	vld [tilespmem:s1+$0xFFFFFFC0];
	_ =	sdelay $0x4  }
0x7f: {  	v52 =	vshrl.u32 v3, $0x3  }
0x80: {  	v4 =	vmul.u32 $0x18, v52  }
0x81: {  	v3 =	vand.u32 $0x7, v3  }
0x82: {  	v3 =	vor.u32 v3, v4  }
0x83: {  	v4 =	vperm.xlane v3, v0;
	_ =	sdelay $0x1  }
0x84: {  	v4 =	vadd.s32 v1, v4;
	_ =	sdelay $0x1  }
0x85: {  	v3 =	vperm.xlane v3, v2;
	_ =	sdelay $0x1  }
0x86: {  	s4 =	rddreg [dreg:$0x12];
	v3 =	vadd.s32 v1, v3  }
0x87: {  	[tilespmem:s4], [sflag:$0x1] =	stream.indirect_vreg.gather [hbm4b:s3+s2], $0x80, v4, vm0, $0xb8;
	[tilespmem:$0x18800] =	vst v63  }
0x88: {  	s6 =	rddreg [dreg:$0x13]  }
0x89: {  	[tilespmem:s6], [sflag:$0x1] =	stream.indirect_vreg.gather [hbm4b:s5+s2], $0x80, v4, vm1, $0xb8;
	[tilespmem:$0x18800] =	vst v63  }
0x8a: {  	s4 =	rddreg [dreg:$0x14]  }
0x8b: {  	[tilespmem:s4], [sflag:$0x1] =	stream.indirect_vreg.gather [hbm4b:s3+s2], $0x80, v3, vm0, $0xb8;
	[tilespmem:$0x18800] =	vst v63  }
0x8c: {  	s6 =	rddreg [dreg:$0x15]  }
0x8d: {  	[tilespmem:s6], [sflag:$0x1] =	stream.indirect_vreg.gather [hbm4b:s5+s2], $0x80, v3, vm1, $0xb8;
	[tilespmem:$0x18800] =	vst v63  }
0x8e: {  	v3 =	vld [tilespmem:s1+$0xFFFFFFD0];
	_ =	sdelay $0x4  }
0x8f: {  	v53 =	vshrl.u32 v3, $0x3  }
0x90: {  	v4 =	vmul.u32 $0x18, v53  }
0x91: {  	v3 =	vand.u32 $0x7, v3  }
0x92: {  	v3 =	vor.u32 v3, v4  }
0x93: {  	v4 =	vperm.xlane v3, v0;
	_ =	sdelay $0x1  }
0x94: {  	v4 =	vadd.s32 v1, v4;
	_ =	sdelay $0x1  }
0x95: {  	v3 =	vperm.xlane v3, v2;
	_ =	sdelay $0x1  }
0x96: {  	s4 =	rddreg [dreg:$0x16];
	v3 =	vadd.s32 v1, v3  }
0x97: {  	[tilespmem:s4], [sflag:$0x1] =	stream.indirect_vreg.gather [hbm4b:s3+s2], $0x80, v4, vm0, $0xb8;
	[tilespmem:$0x18800] =	vst v63  }
0x98: {  	s6 =	rddreg [dreg:$0x17]  }
0x99: {  	[tilespmem:s6], [sflag:$0x1] =	stream.indirect_vreg.gather [hbm4b:s5+s2], $0x80, v4, vm1, $0xb8;
	[tilespmem:$0x18800] =	vst v63  }
0x9a: {  	s4 =	rddreg [dreg:$0x18]  }
0x9b: {  	[tilespmem:s4], [sflag:$0x1] =	stream.indirect_vreg.gather [hbm4b:s3+s2], $0x80, v3, vm0, $0xb8;
	[tilespmem:$0x18800] =	vst v63  }
0x9c: {  	s6 =	rddreg [dreg:$0x19]  }
0x9d: {  	[tilespmem:s6], [sflag:$0x1] =	stream.indirect_vreg.gather [hbm4b:s5+s2], $0x80, v3, vm1, $0xb8;
	[tilespmem:$0x18800] =	vst v63  }
0x9e: {  	v3 =	vld [tilespmem:s1+$0xFFFFFFE0];
	_ =	sdelay $0x4  }
0x9f: {  	v54 =	vshrl.u32 v3, $0x3  }
0xa0: {  	v4 =	vmul.u32 $0x18, v54  }
0xa1: {  	v3 =	vand.u32 $0x7, v3  }
0xa2: {  	v3 =	vor.u32 v3, v4  }
0xa3: {  	v4 =	vperm.xlane v3, v0;
	_ =	sdelay $0x1  }
0xa4: {  	v4 =	vadd.s32 v1, v4;
	_ =	sdelay $0x1  }
0xa5: {  	v3 =	vperm.xlane v3, v2;
	_ =	sdelay $0x1  }
0xa6: {  	s4 =	rddreg [dreg:$0x1a];
	v3 =	vadd.s32 v1, v3  }
0xa7: {  	[tilespmem:s4], [sflag:$0x1] =	stream.indirect_vreg.gather [hbm4b:s3+s2], $0x80, v4, vm0, $0xb8;
	[tilespmem:$0x18800] =	vst v63  }
0xa8: {  	s6 =	rddreg [dreg:$0x1b]  }
0xa9: {  	[tilespmem:s6], [sflag:$0x1] =	stream.indirect_vreg.gather [hbm4b:s5+s2], $0x80, v4, vm1, $0xb8;
	[tilespmem:$0x18800] =	vst v63  }
0xaa: {  	s4 =	rddreg [dreg:$0x1c]  }
0xab: {  	[tilespmem:s4], [sflag:$0x1] =	stream.indirect_vreg.gather [hbm4b:s3+s2], $0x80, v3, vm0, $0xb8;
	[tilespmem:$0x18800] =	vst v63  }
0xac: {  	s6 =	rddreg [dreg:$0x1d]  }
0xad: {  	[tilespmem:s6], [sflag:$0x1] =	stream.indirect_vreg.gather [hbm4b:s5+s2], $0x80, v3, vm1, $0xb8;
	[tilespmem:$0x18800] =	vst v63  }
0xae: {  	v3 =	vld [tilespmem:s1+$0xFFFFFFF0];
	_ =	sdelay $0x4  }
0xaf: {  	v55 =	vshrl.u32 v3, $0x3  }
0xb0: {  	v4 =	vmul.u32 $0x18, v55  }
0xb1: {  	v3 =	vand.u32 $0x7, v3  }
0xb2: {  	v3 =	vor.u32 v3, v4  }
0xb3: {  	v4 =	vperm.xlane v3, v0;
	_ =	sdelay $0x1  }
0xb4: {  	v4 =	vadd.s32 v1, v4;
	_ =	sdelay $0x1  }
0xb5: {  	v3 =	vperm.xlane v3, v2  }
0xb6: {  	s4 =	rddreg [dreg:$0x1e]  }
0xb7: {  	s6 =	rddreg [dreg:$0x1f];
	v3 =	vadd.s32 v1, v3  }
0xb8: {  	[tilespmem:s4], [sflag:$0x1] =	stream.indirect_vreg.gather [hbm4b:s3+s2], $0x80, v4, vm0, $0xb8;
	[tilespmem:$0x18800] =	vst v63  }
0xb9: {  	s4 =	sld [smem:$0x7EE]  }
0xba: {  	[tilespmem:s6], [sflag:$0x1] =	stream.indirect_vreg.gather [hbm4b:s5+s2], $0x80, v4, vm1, $0xb8;
	[tilespmem:$0x18800] =	vst v63  }
0xbb: {  	s6 =	sld [smem:$0x7EF]  }
0xbc: {  	[tilespmem:s4], [sflag:$0x1] =	stream.indirect_vreg.gather [hbm4b:s3+s2], $0x80, v3, vm0, $0xb8;
	[tilespmem:$0x18800] =	vst v63  }
0xbd: {  	_ = 	snop  }
0xbe: {  	[tilespmem:s6], [sflag:$0x1] =	stream.indirect_vreg.gather [hbm4b:s5+s2], $0x80, v3, vm1, $0xb8;
	[tilespmem:$0x18800] =	vst v63  }
0xbf: {  	v3 =	vld [tilespmem:s1+$0x0];
	_ =	sdelay $0x4  }
0xc0: {  	v56 =	vshrl.u32 v3, $0x3  }
0xc1: {  	v4 =	vmul.u32 $0x18, v56  }
0xc2: {  	v3 =	vand.u32 $0x7, v3  }
0xc3: {  	v3 =	vor.u32 v3, v4  }
0xc4: {  	v4 =	vperm.xlane v3, v0;
	_ =	sdelay $0x1  }
0xc5: {  	v4 =	vadd.s32 v1, v4;
	_ =	sdelay $0x1  }
0xc6: {  	s4 =	sld [smem:$0x7F0];
	v3 =	vperm.xlane v3, v2;
	_ =	sdelay $0x1  }
0xc7: {  	s6 =	sld [smem:$0x7F1];
	v3 =	vadd.s32 v1, v3  }
0xc8: {  	[tilespmem:s4], [sflag:$0x1] =	stream.indirect_vreg.gather [hbm4b:s3+s2], $0x80, v4, vm0, $0xb8;
	[tilespmem:$0x18800] =	vst v63  }
0xc9: {  	s4 =	sld [smem:$0x7F2]  }
0xca: {  	[tilespmem:s6], [sflag:$0x1] =	stream.indirect_vreg.gather [hbm4b:s5+s2], $0x80, v4, vm1, $0xb8;
	[tilespmem:$0x18800] =	vst v63  }
0xcb: {  	s6 =	sld [smem:$0x7F3]  }
0xcc: {  	[tilespmem:s4], [sflag:$0x1] =	stream.indirect_vreg.gather [hbm4b:s3+s2], $0x80, v3, vm0, $0xb8;
	[tilespmem:$0x18800] =	vst v63  }
0xcd: {  	_ = 	snop  }
0xce: {  	[tilespmem:s6], [sflag:$0x1] =	stream.indirect_vreg.gather [hbm4b:s5+s2], $0x80, v3, vm1, $0xb8;
	[tilespmem:$0x18800] =	vst v63  }
0xcf: {  	v3 =	vld [tilespmem:s1+$0x10];
	_ =	sdelay $0x4  }
0xd0: {  	v57 =	vshrl.u32 v3, $0x3  }
0xd1: {  	v4 =	vmul.u32 $0x18, v57  }
0xd2: {  	v3 =	vand.u32 $0x7, v3  }
0xd3: {  	v3 =	vor.u32 v3, v4  }
0xd4: {  	v4 =	vperm.xlane v3, v0;
	_ =	sdelay $0x1  }
0xd5: {  	v4 =	vadd.s32 v1, v4;
	_ =	sdelay $0x1  }
0xd6: {  	s4 =	sld [smem:$0x7F4];
	v3 =	vperm.xlane v3, v2;
	_ =	sdelay $0x1  }
0xd7: {  	s6 =	sld [smem:$0x7F5];
	v3 =	vadd.s32 v1, v3  }
0xd8: {  	[tilespmem:s4], [sflag:$0x1] =	stream.indirect_vreg.gather [hbm4b:s3+s2], $0x80, v4, vm0, $0xb8;
	[tilespmem:$0x18800] =	vst v63  }
0xd9: {  	s4 =	sld [smem:$0x7F6]  }
0xda: {  	[tilespmem:s6], [sflag:$0x1] =	stream.indirect_vreg.gather [hbm4b:s5+s2], $0x80, v4, vm1, $0xb8;
	[tilespmem:$0x18800] =	vst v63  }
0xdb: {  	s6 =	sld [smem:$0x7F8]  }
0xdc: {  	[tilespmem:s4], [sflag:$0x1] =	stream.indirect_vreg.gather [hbm4b:s3+s2], $0x80, v3, vm0, $0xb8;
	[tilespmem:$0x18800] =	vst v63  }
0xdd: {  	_ = 	snop  }
0xde: {  	[tilespmem:s6], [sflag:$0x1] =	stream.indirect_vreg.gather [hbm4b:s5+s2], $0x80, v3, vm1, $0xb8;
	[tilespmem:$0x18800] =	vst v63  }
0xdf: {  	v3 =	vld [tilespmem:s1+$0x20];
	_ =	sdelay $0x4  }
0xe0: {  	v58 =	vshrl.u32 v3, $0x3  }
0xe1: {  	v4 =	vmul.u32 $0x18, v58  }
0xe2: {  	v3 =	vand.u32 $0x7, v3  }
0xe3: {  	v3 =	vor.u32 v3, v4  }
0xe4: {  	v4 =	vperm.xlane v3, v0;
	_ =	sdelay $0x1  }
0xe5: {  	v4 =	vadd.s32 v1, v4;
	_ =	sdelay $0x1  }
0xe6: {  	s4 =	sld [smem:$0x7F9];
	v3 =	vperm.xlane v3, v2;
	_ =	sdelay $0x1  }
0xe7: {  	s6 =	sld [smem:$0x7FB];
	v3 =	vadd.s32 v1, v3  }
0xe8: {  	[tilespmem:s4], [sflag:$0x1] =	stream.indirect_vreg.gather [hbm4b:s3+s2], $0x80, v4, vm0, $0xb8;
	[tilespmem:$0x18800] =	vst v63  }
0xe9: {  	s4 =	sld [smem:$0x7FC]  }
0xea: {  	[tilespmem:s6], [sflag:$0x1] =	stream.indirect_vreg.gather [hbm4b:s5+s2], $0x80, v4, vm1, $0xb8;
	[tilespmem:$0x18800] =	vst v63  }
0xeb: {  	s6 =	sld [smem:$0x7FD]  }
0xec: {  	[tilespmem:s4], [sflag:$0x1] =	stream.indirect_vreg.gather [hbm4b:s3+s2], $0x80, v3, vm0, $0xb8;
	[tilespmem:$0x18800] =	vst v63  }
0xed: {  	_ = 	snop  }
0xee: {  	[tilespmem:s6], [sflag:$0x1] =	stream.indirect_vreg.gather [hbm4b:s5+s2], $0x80, v3, vm1, $0xb8;
	[tilespmem:$0x18800] =	vst v63  }
0xef: {  	v3 =	vld [tilespmem:s1+$0x30];
	_ =	sdelay $0x4  }
0xf0: {  	v59 =	vshrl.u32 v3, $0x3  }
0xf1: {  	v4 =	vmul.u32 $0x18, v59  }
0xf2: {  	v3 =	vand.u32 $0x7, v3  }
0xf3: {  	v3 =	vor.u32 v3, v4  }
0xf4: {  	v4 =	vperm.xlane v3, v0;
	_ =	sdelay $0x1  }
0xf5: {  	v4 =	vadd.s32 v1, v4;
	_ =	sdelay $0x1  }
0xf6: {  	v3 =	vperm.xlane v3, v2;
	_ =	sdelay $0x1  }
0xf7: {  	v3 =	vadd.s32 v1, v3  }
0xf8: {  	[tilespmem:s9], [sflag:$0x1] =	stream.indirect_vreg.gather [hbm4b:s3+s2], $0x80, v4, vm0, $0xb8;
	[tilespmem:$0x18800] =	vst v63  }
0xf9: {  	_ = 	snop  }
0xfa: {  	[tilespmem:s10], [sflag:$0x1] =	stream.indirect_vreg.gather [hbm4b:s5+s2], $0x80, v4, vm1, $0xb8;
	[tilespmem:$0x18800] =	vst v63  }
0xfb: {  	_ = 	snop  }
0xfc: {  	[tilespmem:s11], [sflag:$0x1] =	stream.indirect_vreg.gather [hbm4b:s3+s2], $0x80, v3, vm0, $0xb8;
	[tilespmem:$0x18800] =	vst v63  }
0xfd: {  	_ = 	snop  }
0xfe: {  	[tilespmem:s12], [sflag:$0x1] =	stream.indirect_vreg.gather [hbm4b:s5+s2], $0x80, v3, vm1, $0xb8;
	[tilespmem:$0x18800] =	vst v63  }
0xff: {  	v3 =	vld [tilespmem:s1+$0x40];
	_ =	sdelay $0x4  }
0x100: {  	v60 =	vshrl.u32 v3, $0x3  }
0x101: {  	v4 =	vmul.u32 $0x18, v60  }
0x102: {  	v3 =	vand.u32 $0x7, v3  }
0x103: {  	v3 =	vor.u32 v3, v4  }
0x104: {  	v4 =	vperm.xlane v3, v0;
	_ =	sdelay $0x1  }
0x105: {  	v4 =	vadd.s32 v1, v4;
	_ =	sdelay $0x1  }
0x106: {  	v3 =	vperm.xlane v3, v2;
	_ =	sdelay $0x1  }
0x107: {  	v3 =	vadd.s32 v1, v3  }
0x108: {  	[tilespmem:s13], [sflag:$0x1] =	stream.indirect_vreg.gather [hbm4b:s3+s2], $0x80, v4, vm0, $0xb8;
	[tilespmem:$0x18800] =	vst v63  }
0x109: {  	_ = 	snop  }
0x10a: {  	[tilespmem:s14], [sflag:$0x1] =	stream.indirect_vreg.gather [hbm4b:s5+s2], $0x80, v4, vm1, $0xb8;
	[tilespmem:$0x18800] =	vst v63  }
0x10b: {  	_ = 	snop  }
0x10c: {  	[tilespmem:s15], [sflag:$0x1] =	stream.indirect_vreg.gather [hbm4b:s3+s2], $0x80, v3, vm0, $0xb8;
	[tilespmem:$0x18800] =	vst v63  }
0x10d: {  	_ = 	snop  }
0x10e: {  	[tilespmem:s16], [sflag:$0x1] =	stream.indirect_vreg.gather [hbm4b:s5+s2], $0x80, v3, vm1, $0xb8;
	[tilespmem:$0x18800] =	vst v63  }
0x10f: {  	v3 =	vld [tilespmem:s1+$0x50];
	_ =	sdelay $0x4  }
0x110: {  	v61 =	vshrl.u32 v3, $0x3  }
0x111: {  	v4 =	vmul.u32 $0x18, v61  }
0x112: {  	v3 =	vand.u32 $0x7, v3  }
0x113: {  	v3 =	vor.u32 v3, v4  }
0x114: {  	v4 =	vperm.xlane v3, v0;
	_ =	sdelay $0x1  }
0x115: {  	v4 =	vadd.s32 v1, v4;
	_ =	sdelay $0x1  }
0x116: {  	v3 =	vperm.xlane v3, v2;
	_ =	sdelay $0x1  }
0x117: {  	v3 =	vadd.s32 v1, v3  }
0x118: {  	[tilespmem:s17], [sflag:$0x1] =	stream.indirect_vreg.gather [hbm4b:s3+s2], $0x80, v4, vm0, $0xb8;
	[tilespmem:$0x18800] =	vst v63  }
0x119: {  	_ = 	snop  }
0x11a: {  	[tilespmem:s18], [sflag:$0x1] =	stream.indirect_vreg.gather [hbm4b:s5+s2], $0x80, v4, vm1, $0xb8;
	[tilespmem:$0x18800] =	vst v63  }
0x11b: {  	_ = 	snop  }
0x11c: {  	[tilespmem:s19], [sflag:$0x1] =	stream.indirect_vreg.gather [hbm4b:s3+s2], $0x80, v3, vm0, $0xb8;
	[tilespmem:$0x18800] =	vst v63  }
0x11d: {  	_ = 	snop  }
0x11e: {  	[tilespmem:s20], [sflag:$0x1] =	stream.indirect_vreg.gather [hbm4b:s5+s2], $0x80, v3, vm1, $0xb8;
	[tilespmem:$0x18800] =	vst v63  }
0x11f: {  	v3 =	vld [tilespmem:s1+$0x60];
	_ =	sdelay $0x4  }
0x120: {  	v62 =	vshrl.u32 v3, $0x3  }
0x121: {  	v4 =	vmul.u32 $0x18, v62  }
0x122: {  	v3 =	vand.u32 $0x7, v3  }
0x123: {  	v3 =	vor.u32 v3, v4  }
0x124: {  	v4 =	vperm.xlane v3, v0;
	_ =	sdelay $0x1  }
0x125: {  	v4 =	vadd.s32 v1, v4;
	_ =	sdelay $0x1  }
0x126: {  	v3 =	vperm.xlane v3, v2;
	_ =	sdelay $0x1  }
0x127: {  	v3 =	vadd.s32 v1, v3  }
0x128: {  	[tilespmem:s21], [sflag:$0x1] =	stream.indirect_vreg.gather [hbm4b:s3+s2], $0x80, v4, vm0, $0xb8;
	[tilespmem:$0x18800] =	vst v63  }
0x129: {  	_ = 	snop  }
0x12a: {  	[tilespmem:s22], [sflag:$0x1] =	stream.indirect_vreg.gather [hbm4b:s5+s2], $0x80, v4, vm1, $0xb8;
	[tilespmem:$0x18800] =	vst v63  }
0x12b: {  	_ = 	snop  }
0x12c: {  	[tilespmem:s23], [sflag:$0x1] =	stream.indirect_vreg.gather [hbm4b:s3+s2], $0x80, v3, vm0, $0xb8;
	[tilespmem:$0x18800] =	vst v63  }
0x12d: {  	_ = 	snop  }
0x12e: {  	[tilespmem:s24], [sflag:$0x1] =	stream.indirect_vreg.gather [hbm4b:s5+s2], $0x80, v3, vm1, $0xb8;
	[tilespmem:$0x18800] =	vst v63  }
0x12f: {  	v3 =	vld [tilespmem:s1+$0x70];
	_ =	sdelay $0x4  }
0x130: {  	v63 =	vshrl.u32 v3, $0x3  }
0x131: {  	v4 =	vmul.u32 $0x18, v63  }
0x132: {  	v3 =	vand.u32 $0x7, v3  }
0x133: {  	v3 =	vor.u32 v3, v4  }
0x134: {  	v4 =	vperm.xlane v3, v0;
	_ =	sdelay $0x1  }
0x135: {  	v4 =	vadd.s32 v1, v4;
	_ =	sdelay $0x1  }
0x136: {  	v3 =	vperm.xlane v3, v2;
	_ =	sdelay $0x1  }
0x137: {  	v3 =	vadd.s32 v1, v3  }
0x138: {  	[tilespmem:s25], [sflag:$0x1] =	stream.indirect_vreg.gather [hbm4b:s3+s2], $0x80, v4, vm0, $0xb8;
	[tilespmem:$0x18800] =	vst v63  }
0x139: {  	_ = 	snop  }
0x13a: {  	[tilespmem:s26], [sflag:$0x1] =	stream.indirect_vreg.gather [hbm4b:s5+s2], $0x80, v4, vm1, $0xb8;
	[tilespmem:$0x18800] =	vst v63  }
0x13b: {  	_ = 	snop  }
0x13c: {  	[tilespmem:s28], [sflag:$0x1] =	stream.indirect_vreg.gather [hbm4b:s3+s2], $0x80, v3, vm0, $0xb8;
	[tilespmem:$0x18800] =	vst v63  }
0x13d: {  	_ = 	snop  }
0x13e: {  	[tilespmem:s29], [sflag:$0x1] =	stream.indirect_vreg.gather [hbm4b:s5+s2], $0x80, v3, vm1, $0xb8;
	[tilespmem:$0x18800] =	vst v63  }
0x13f: {  	_ =	swait.ge [sflag:s30], $0x18000  }
0x140: {  	p0 =	sne.s32 s0, $0x15000;
	s6 =	rddreg [dreg:$0x2];
	[sflag:s30] =	ssyncset.done $0x0  }
.Ltmp0:
0x141: {  	[sflag:s30] =	ssyncadd.s32 $0xFFFE8000;
	s4 =	sadd.s32 s0, s6;
	(pc) =	sbr.rel @p0 .LBB2_2-.Ltmp0, $4  }
0x142: {  	[hbm4b:s4+s2] =	stream.linear.scatter [tilespmem:s8], [sflag:$0x2], $0x18000, $0x38;
	[tilespmem:$0x18800] =	vst v63  }
0x143: {  	_ =	swait.ge [sflag:s7], $0x18000  }
0x144: {  	[sflag:s7] =	ssyncset.done $0x0  }
0x145: {  	s1 =	sadd.s32 $0x100, s1;
	s0 =	sadd.s32 $0x3000, s0;
	[sflag:s7] =	ssyncadd.s32 $0xFFFE8000  }
0x146: {  	s0 =	sld [smem:$0x7FA];
	_ =	sdelay $0x1  }
0x147: {  	s31 =	sadd.s32 $0x1, s31  }
0x148: {  	p0 =	sne.s32 s31, s0  }
.Ltmp1:
0x149: {  	_ = 	snop;
	(pc) =	sbr.rel @p0 .LBB2_1-.Ltmp1, $1  }
0x14a: {  	_ =	sdelay $0x3  }
0x14b: {  	_ =	sfence.sel $0x180000  }
0x14c: {  	[bflag:$0x0] =	sbarrier.arrive $0xFFFF  }
0x14d: {  	_ =	strace $0x9000004A  }
0x14e: {  	s0 =	stileid.u32;
	[bflag:$0x2] =	sbarrier.arrive $0xFFFF  }
0x14f: {  	p0 =	sne.s32 s0, $0x0;
	s0 =	rddreg [dreg:$0x1]  }
0x150: {  	s0 =	sadd.s32 @!p0 $0x100000, s0  }
0x151: {  	[sflag:s0] =	ssyncadd.tile.s32 @!p0 $0x1;
	_ =	shalt  }
.Lfunc_end2:
_tile_overlayer_lowered:
.L_overlay_start_2:
0x152: {  	(tag) =	ssettag $0x2  }
0x153: {  	s0 =	rddreg [dreg:$0x0];
	s2 =	stileid.u32  }
0x154: {  	s1 =	rddreg [dreg:$0x1];
	p0 =	sne.s32 s2, $0x0  }
0x155: {  	s3 =	rddreg [dreg:$0x2];
	[bflag:$0x3] =	sbarrier.arrive $0xFFFF;
	s2 =	simm.s32 @!p0 $0x1C02  }
0x156: {  	[timem:s3], [sflag:s2] =	dma.local @!p0 [hbm:s0], s1  }
0x157: {  	s0 =	simm.s32 @!p0 $0x2  }
0x158: {  	_ =	swait.ge @!p0 [sflag:s0], s1  }
0x159: {  	s1 =	ssub.s32 @!p0 $0x0, s1;
	[sflag:s0] =	ssyncset.done @!p0 $0x0  }
0x15a: {  	[sflag:s0] =	ssyncadd.s32 @!p0 s1  }
0x15b: {  	[bflag:$0x3] =	sbarrier.arrive $0xFFFF  }
0x15c: {  	_ =	shalt  }

// kernel: kernel.8.cloned.1.call-start
scs
__scs_entry_jumppad:
0x0: {  	(pc) =	sbr.rel $0x88, $3  }
0x1: {  	(tag) =	ssettag $0x0;
	lr =	simm.s32 $0x1  }
0x2: {  	[smem:$0x3F9C] =	sst lr;
	_ =	strace $0xD0000000  }
0x3: {  	_ = 	snop  }
0x4: {  	_ = 	snop  }
0x5: {  	_ = 	snop  }
0x6: {  	_ = 	snop  }
0x7: {  	_ = 	snop  }
__scs_overlays_trampoline_lowered:
0x8: {  	[smem:$0x3FAB] =	sst s0  }
0x9: {  	[smem:$0x3FAC] =	sst s1  }
0xa: {  	[smem:$0x3FAD] =	sst s2  }
0xb: {  	[smem:$0x3FAE] =	sst s3  }
0xc: {  	[smem:$0x3FAF] =	sst s4  }
0xd: {  	[smem:$0x3FB0] =	sst s5  }
0xe: {  	[smem:$0x3FB1] =	sst s6  }
0xf: {  	[smem:$0x3FB2] =	sst s7  }
0x10: {  	[smem:$0x3FB3] =	sst s8  }
0x11: {  	[smem:$0x3FB4] =	sst s9;
	s0 =	simm.s32 @!p0 $0x0  }
0x12: {  	s1 =	sld [smem:$0x3F9A];
	s0 =	simm.s32 @p0 $0x1  }
0x13: {  	[smem:$0x3FB5] =	sst s0;
	s0 =	simm.s32 @!p1 $0x0  }
0x14: {  	s2 =	sld [smem:$0x3F99];
	s0 =	simm.s32 @p1 $0x1  }
0x15: {  	[smem:$0x3FB6] =	sst s0;
	s0 =	simm.s32 @!p2 $0x0  }
0x16: {  	s3 =	sld [smem:$0x3FDB];
	s0 =	simm.s32 @p2 $0x1  }
0x17: {  	s4 =	simm.s32 $0x1BF5;
	[smem:$0x3FB8] =	sst s0  }
0x18: {  	s0 =	sld [smem:$0x3F9B];
	_ =	swait.ge [sflag:s4], $0x0  }
0x19: {  	s7 =	sld [smem:$0x3F9C]  }
0x1a: {  	s8 =	sadd.s32 $0xFFFFE003, lr  }
0x1b: {  	s9 =	sadd.s32 $0xFFFFFEF7, lr;
	s5 =	simm.s32 $0xFFFFFFFF;
	p2 =	slt.u32 s8, $0xFFFFF086  }
0x1c: {  	p1 =	slt.u32 s9, $0xF7A;
	s5 =	simm.s32 @!p2 $0x0  }
0x1d: {  	s5 =	simm.s32 @p1 $0x1;
	p0 =	seq.s32 s7, s2  }
0x1e: {  	s7 =	smul.u32 @!p0 $0xF7A, s2;
	p2 =	seq.s32 @!p0 s5, $0x0  }
0x1f: {  	s9 =	smul.u32 $0xF7A, s1;
	s8 =	simm.s32 @!p0 $0x1BF5;
	p2 =	por !p2, p0  }
0x20: {  	[sflag:s8] =	ssyncset.s32 @!p0 $0xFFFFF086;
	s6 =	sadd.s32 @!p0 s3, s7;
	s7 =	simm.s32 @!p0 $0x108  }
0x21: {  	s3 =	sadd.s32 s3, s9;
	s6 =	sadd.s32 @!p0 $0x88, s6;
	s7 =	simm.s32 @p2 $0x1082  }
0x22: {  	[simem:s7], [sflag:s8] =	dma.local @!p0 [hbm:s6], $0xF7A  }
0x23: {  	s9 =	sor.u32 $0xD0000000, s2;
	s6 =	simm.s32 $0x108;
	_ =	swait.ge @!p0 [sflag:s8], $0x0  }
0x24: {  	s3 =	sadd.s32 $0x88, s3;
	s6 =	simm.s32 @!p1 $0x1082;
	[sflag:s4] =	ssyncset.s32 $0xFFFFF086  }
0x25: {  	[simem:s6], [sflag:s4] =	dma.local [hbm:s3], $0xF7A  }
0x26: {  	[smem:$0x3F9C] =	sst s1;
	(tag) =	ssettag s2;
	_ =	strace s9  }
0x27: {  	s1 =	sld [smem:$0x3FAC]  }
0x28: {  	s2 =	sld [smem:$0x3FAD]  }
0x29: {  	s4 =	sld [smem:$0x3FAF]  }
0x2a: {  	p0 =	seq.s32 s5, $0x0;
	s5 =	sld [smem:$0x3FB0]  }
0x2b: {  	s6 =	sld [smem:$0x3FB1]  }
0x2c: {  	s7 =	sld [smem:$0x3FB2]  }
0x2d: {  	s3 =	simm.s32 $0x108;
	s8 =	sld [smem:$0x3FB3]  }
0x2e: {  	s3 =	simm.s32 @!p0 $0x1082;
	s9 =	sld [smem:$0x3FB4]  }
0x2f: {  	lr =	sadd.s32 s0, s3;
	s0 =	sld [smem:$0x3FAB]  }
0x30: {  	s3 =	sld [smem:$0x3FAE]  }
0x31: {  	[smem:$0x3FB7] =	sst s10  }
0x32: {  	s10 =	sld [smem:$0x3FB5];
	_ =	sdelay $0x3  }
0x33: {  	p0 =	seq.s32 s10, $0x1;
	s10 =	sld [smem:$0x3FB7];
	_ =	sdelay $0x3  }
0x34: {  	[smem:$0x3FB7] =	sst s10  }
0x35: {  	s10 =	sld [smem:$0x3FB6];
	_ =	sdelay $0x3  }
0x36: {  	p1 =	seq.s32 s10, $0x1;
	s10 =	sld [smem:$0x3FB7];
	_ =	sdelay $0x3  }
0x37: {  	[smem:$0x3FB7] =	sst s10  }
0x38: {  	s10 =	sld [smem:$0x3FB8]  }
0x39: {  	_ = 	snop;
	(pc) =	sbr.ind lr, $3  }
0x3a: {  	_ = 	snop  }
0x3b: {  	_ = 	snop  }
0x3c: {  	p2 =	seq.s32 s10, $0x1;
	s10 =	sld [smem:$0x3FB7]  }
0x3d: {  	_ =	shalt  }
0x3e: {  	_ =	shalt  }
0x3f: {  	_ =	shalt  }
0x40: {  	_ =	shalt  }
0x41: {  	_ =	shalt  }
0x42: {  	_ =	shalt  }
0x43: {  	_ =	shalt  }
0x44: {  	_ =	shalt  }
0x45: {  	_ =	shalt  }
0x46: {  	_ =	shalt  }
0x47: {  	_ =	shalt  }
0x48: {  	_ =	shalt  }
0x49: {  	_ =	shalt  }
0x4a: {  	_ =	shalt  }
0x4b: {  	_ =	shalt  }
0x4c: {  	_ =	shalt  }
0x4d: {  	_ =	shalt  }
0x4e: {  	_ =	shalt  }
0x4f: {  	_ =	shalt  }
0x50: {  	_ =	shalt  }
0x51: {  	_ =	shalt  }
0x52: {  	_ =	shalt  }
0x53: {  	_ =	shalt  }
0x54: {  	_ =	shalt  }
0x55: {  	_ =	shalt  }
0x56: {  	_ =	shalt  }
0x57: {  	_ =	shalt  }
0x58: {  	_ =	shalt  }
0x59: {  	_ =	shalt  }
0x5a: {  	_ =	shalt  }
0x5b: {  	_ =	shalt  }
0x5c: {  	_ =	shalt  }
0x5d: {  	_ =	shalt  }
0x5e: {  	_ =	shalt  }
0x5f: {  	_ =	shalt  }
0x60: {  	_ =	shalt  }
0x61: {  	_ =	shalt  }
0x62: {  	_ =	shalt  }
0x63: {  	_ =	shalt  }
0x64: {  	_ =	shalt  }
0x65: {  	_ =	shalt  }
0x66: {  	_ =	shalt  }
0x67: {  	_ =	shalt  }
0x68: {  	_ =	shalt  }
0x69: {  	_ =	shalt  }
0x6a: {  	_ =	shalt  }
0x6b: {  	_ =	shalt  }
0x6c: {  	_ =	shalt  }
0x6d: {  	_ =	shalt  }
0x6e: {  	_ =	shalt  }
0x6f: {  	_ =	shalt  }
0x70: {  	_ =	shalt  }
0x71: {  	_ =	shalt  }
0x72: {  	_ =	shalt  }
0x73: {  	_ =	shalt  }
0x74: {  	_ =	shalt  }
0x75: {  	_ =	shalt  }
0x76: {  	_ =	shalt  }
0x77: {  	_ =	shalt  }
0x78: {  	_ =	shalt  }
0x79: {  	_ =	shalt  }
0x7a: {  	_ =	shalt  }
0x7b: {  	_ =	shalt  }
0x7c: {  	_ =	shalt  }
0x7d: {  	_ =	shalt  }
0x7e: {  	_ =	shalt  }
0x7f: {  	_ =	shalt  }
0x80: {  	_ =	shalt  }
0x81: {  	_ =	shalt  }
0x82: {  	_ =	shalt  }
0x83: {  	_ =	shalt  }
0x84: {  	_ =	shalt  }
0x85: {  	_ =	shalt  }
0x86: {  	_ =	shalt  }
0x87: {  	_ =	shalt  }
.Lfunc_end0:
.L_simem_size_0:
called_computation_lowered:
.L_overlay_start_0:
0x88: {  	s2 =	sld [smem:$0x3FD9]  }
0x89: {  	s3 =	sld [smem:$0x3FFE];
	_ =	sdelay $0x1  }
0x8a: {  	s1 =	srdreg.scid  }
0x8b: {  	s0 =	sand.u32 $0x1, s1  }
0x8c: {  	s16 =	sshll.u32 s0, $0xA;
	s2 =	sadd.s32 s3, s2  }
0x8d: {  	s2 =	sadd.s32 s2, s16  }
0x8e: {  	[smem:$0x3FC3] =	sst s2  }
0x8f: {  	_ = 	snop  }
0x90: {  	(tm) =	ssettm $0x1  }
0x91: {  	s17 =	sld [smem:$0x3FFB];
	_ =	sdelay $0x3  }
0x92: {  	_ =	strace s17  }
0x93: {  	s2 =	sld [smem:$0x3FFC];
	_ =	sdelay $0x3  }
0x94: {  	_ =	strace s2  }
0x95: {  	s2 =	sld [smem:$0x3FFD];
	_ =	sdelay $0x3  }
0x96: {  	_ =	strace s2  }
0x97: {  	_ =	strace $0x8FFFFFFF  }
0x98: {  	s18 =	sld [smem:$0x3FDB];
	_ =	sdelay $0x1  }
0x99: {  	s19 =	simm.s32 $_scs_section_size  }
0x9a: {  	s4 =	simm.s32 $_size__tile_overlayer_lowered;
	s5 =	simm.s32 $_tile_overlayer_lowered  }
0x9b: {  	s22 =	simm.s32 $0x1BFF;
	s21 =	sshll.u32 s5, $0x1;
	s2 =	sadd.s32 s19, s18  }
0x9c: {  	s6 =	simm.s32 $0x0;
	s20 =	sshll.u32 s4, $0x1;
	s4 =	sadd.s32 s21, s2  }
0x9d: {  	[timem:s6], [sflag:s22] =	dma.local [hbm:s4], s20  }
0x9e: {  	_ =	swait.ge [sflag:s22], s20  }
0x9f: {  	s3 =	ssub.s32 $0x0, s20;
	[sflag:s22] =	ssyncset.done $0x0  }
0xa0: {  	[sflag:s22] =	ssyncadd.s32 s3;
	_ =	sdelay $0x1  }
0xa1: {  	s23 =	simm.s32 $0x1B8B  }
0xa2: {  	_ =	swait.ge [sflag:s23], $0x1  }
0xa3: {  	[sflag:s23] =	ssyncset.done $0x0  }
0xa4: {  	s25 =	simm.s32 $0x1B8E;
	s24 =	sld [smem:$0x3FFE];
	[sflag:s23] =	ssyncadd.s32 $0xFFFFFFFF  }
0xa5: {  	s26 =	simm.s32 $execute0_lowered;
	[smem:$0x3FD2] =	sst s25  }
0xa6: {  	s4 =	sshll.u32 s26, $0x1;
	_ =	strace $0x80000046;
	[dreg:$0x1] =	wrdreg $0xFFFFFFFF  }
0xa7: {  	s28 =	simm.s32 $_size_execute0_lowered;
	s2 =	sadd.s32 s2, s4;
	[dreg:$0x0] =	wrdreg $0x0  }
0xa8: {  	s4 =	sshll.u32 s28, $0x1;
	[dreg:$0x2] =	wrdreg s2  }
0xa9: {  	[dreg:$0x3] =	wrdreg s4  }
0xaa: {  	[dreg:$0x4] =	wrdreg $0xC0  }
0xab: {  	_ =	task [dreg:s6], $0x5FFFF  }
0xac: {  	[dreg:$0x1] =	wrdreg $0xFFFFFFFF  }
0xad: {  	[dreg:$0x0] =	wrdreg $0x60  }
0xae: {  	[dreg:$0x2] =	wrdreg s24  }
0xaf: {  	[dreg:$0x3] =	wrdreg $0x9  }
0xb0: {  	_ =	task.clear_ibuf [dreg:s6], $0x4FFFF;
	_ =	strace $0x90000046  }
0xb1: {  	s29 =	simm.s32 $0x9;
	_ =	strace $0x80000048  }
0xb2: {  	_ =	swait.ge [sflag:s29], $0x1  }
0xb3: {  	[sflag:s29] =	ssyncadd.s32 $0xFFFFFFFF  }
0xb4: {  	_ =	strace $0x90000048  }
0xb5: {  	_ =	sfence  }
0xb6: {  	s30 =	sld [smem:$0x0];
	_ =	sdelay $0x2  }
0xb7: {  	s31 =	sshll.u32 s1, $0xD;
	s1 =	sshrl.u32 s1, $0x2  }
0xb8: {  	s3 =	sand.u32 $0x4000, s31;
	s1 =	sadd.s32 s1, s30  }
0xb9: {  	s0 =	sor.u32 s3, s0;
	s1 =	sshll.u32 s1, $0x11  }
0xba: {  	s0 =	sor.u32 s1, s0  }
0xbb: {  	s0 =	sadd.s32 $0x8F2B, s0  }
0xbc: {  	[sflag:s0] =	ssyncadd.remote.s32 $0x1  }
0xbd: {  	_ =	sfence.sel $0xFFFF  }
0xbe: {  	[dreg:$0x0] =	wrdreg $0xFFFFFFFF;
	(pc) =	sbr.abs _section_cstart, $3  }
0xbf: {  	[dreg:$0x1] =	wrdreg $0xFFFFFFFF  }
0xc0: {  	_ =	task.clear_ibuf [dreg:s6], $0x2FFFF;
	_ =	strace $0x9FFFFFFF  }
0xc1: {  	(tm) =	ssettm $0x7FFFFFFF  }
tec
execute0_lowered:
.L_overlay_start_1:
0x0: {  	(tag) =	ssettag $0x1  }
0x1: {  	s4 =	rddreg [dreg:$0x0]  }
0x2: {  	s0 =	rddreg [dreg:$0x1]  }
0x3: {  	s2 =	simm.s32 $0x0;
	s3 =	srdreg.scid;
	s1 =	stileid.u32  }
0x4: {  	s9 =	simm.s32 $0x400;
	s10 =	simm.s32 $0x1;
	s11 =	simm.s32 $0x4000  }
0x5: {  	s12 =	simm.s32 $0x2;
	s13 =	simm.s32 $0x8000;
	s14 =	simm.s32 $0x3  }
0x6: {  	[smem:$0x7FF] =	sst s2;
	s3 =	sand.u32 $0x1, s3;
	s5 =	sshll.u32 s1, $0x1  }
0x7: {  	s15 =	simm.s32 $0x0;
	_ =	strace $0x80000047;
	s5 =	sor.u32 s3, s5  }
0x8: {  	s6 =	ssub.s32 $0x2, s3;
	s3 =	sadd.s32 $0x1400, s4;
	s7 =	sshll.u32 s5, $0x8  }
0x9: {  	s8 =	sshrl.u32 s6, $0x1;
	s31 =	sshll.u32 s5, $0x12;
	s7 =	sadd.s32 s7, s4  }
0xa: {  	s8 =	ssub.s32 s6, s8;
	s4 =	sshll.u32 s5, $0x7;
	s5 =	sadd.s32 s3, s31  }
0xb: {  	v0 =	vimm.f32 $0.0e+00;
	s6 =	sadd.s32 $0x801400, s7;
	s7 =	smax.u32 s8, $0x1;
	s8 =	simm.s32 $0x80  }
.LBB2_1:
0xc: {  	[tilespmem:s2], [sflag:$0x1] =	stream.strided.gather [hbm4b:s5+s8], $0x4000, s9, s8, $0x38;
	[tilespmem:$0x8800] =	vst v63  }
0xd: {  	s16 =	simm.s32 $0x0  }
.LBB2_2:
0xe: {  	s17 =	sshll.u32 s16, $0x1  }
0xf: {  	s18 =	sor.u32 s4, s17  }
0x10: {  	s19 =	sshll.u32 s18, $0xB  }
0x11: {  	s18 =	sshll.u32 s18, $0x4;
	s19 =	sand.u32 $0xFFFC000, s19  }
0x12: {  	_ =	swait.ge [sflag:s10], $0x4000;
	s18 =	sand.u32 $0x60, s18;
	s19 =	sadd.s32 s3, s19  }
0x13: {  	[sflag:s10] =	ssyncset.done $0x0;
	s18 =	sadd.s32 s18, s19  }
0x14: {  	[sflag:s10] =	ssyncadd.s32 $0xFFFFC000;
	s18 =	sadd.s32 $0x10, s18  }
0x15: {  	[tilespmem:s11], [sflag:$0x2] =	stream.strided.gather [hbm4b:s18+s8], $0x4000, s9, s8, $0x38;
	[tilespmem:$0x8800] =	vst v63  }
0x16: {  	s18 =	simm.s32 $0x0  }
0x17: {  	v2 =	vld [tilespmem:s18+$0x0];
	_ =	sdelay $0x3  }
0x18: {  	v1 =	vimm.f32 $+Inf  }
0x19: {  	vm0 =	vlt.f32 v2, v1  }
0x1a: {  	v3 =	vsel vm0, $0x3F800000, v0  }
0x1b: {  	(xrf0) =	vmax.scan.msk.f32 $0xffff, v3;
	_ =	sdelay $0x5  }
0x1c: {  	v3, _, _ =	vpop (xrf0)  }
0x1d: {  	(v2sf) =	vpush v3, $0xF;
	_ =	sdelay $0xe  }
0x1e: {  	s31 =	spop (v2sf)  }
0x1f: {  	p1 =	sgt.f32 s31, $0.0e+00;
	_ =	sdelay $0x1  }
0x20: {  	v3 =	vlaneseq.u32 @p1  }
0x21: {  	v4 =	vor.u32 @p1 s18, v3  }
0x22: {  	(xrf1) =	vsort.ascd.msk.f32 @p1 $0xffff, v2, v4;
	_ =	sdelay $0xb  }
0x23: {  	v2 =	vmul.u32 @p1 $0xFFFFFFFF, v3;
	_ =	sdelay $0x1  }
0x24: {  	v2 =	vadd.s32 @p1 $0xF, v2;
	v3, v4, _ =	vpop @p1 (xrf1)  }
0x25: {  	v3 =	vperm.xlane @p1 v3, v2  }
0x26: {  	v4 =	vperm.xlane @p1 v4, v2  }
0x27: {  	v2 =	vimm.s32 $0x0;
	vm0 =	vlt.f32 @p1 v3, v1  }
0x28: {  	v3 =	vsel @p1 vm0, v3, v1;
	v4 =	vsel @p1 vm0, v4, v2  }
0x29: {  	(xrf1) =	vsort.ascd.msk.f32 @p1 $0xffff, v3, v4;
	_ =	sdelay $0xb  }
0x2a: {  	s19 =	simm.s32 $0x10;
	s18 =	simm.s32 $0x10;
	v3 =	vimm.f32 $+Inf  }
.LBB2_3:
0x2b: {  	v4 =	vld [tilespmem:s18+$0x0];
	s20 =	smov.u32 s19;
	s19 =	sadd.s32 $0x10, s19  }
0x2c: {  	v5 =	vimm.s32 @p1 $0xF;
	p0 =	sne.s32 s19, $0x4000;
	v6, v7, _ =	vpop @p1 (xrf1)  }
0x2d: {  	v5 =	vperm.xlane @p1 v6, v5;
	v1 =	vpsel p1, v6, v1;
	v2 =	vpsel p1, v7, v2;
	_ =	sdelay $0x1  }
0x2e: {  	v3 =	vpsel p1, v5, v3  }
0x2f: {  	vm0 =	vlt.f32 v4, v3  }
0x30: {  	v5 =	vsel vm0, $0x3F800000, v0  }
0x31: {  	(xrf0) =	vmax.scan.msk.f32 $0xffff, v5;
	_ =	sdelay $0x5  }
0x32: {  	v5, _, _ =	vpop (xrf0)  }
0x33: {  	(v2sf) =	vpush v5, $0xF;
	_ =	sdelay $0xe  }
0x34: {  	s21 =	spop (v2sf)  }
0x35: {  	p1 =	sgt.f32 s21, $0.0e+00;
	_ =	sdelay $0x1  }
0x36: {  	v5 =	vlaneseq.u32 @p1  }
0x37: {  	v6 =	vor.u32 @p1 s20, v5  }
0x38: {  	(xrf1) =	vsort.ascd.msk.f32 @p1 $0xffff, v4, v6;
	_ =	sdelay $0xb  }
0x39: {  	v4 =	vmul.u32 @p1 $0xFFFFFFFF, v5;
	_ =	sdelay $0x1  }
0x3a: {  	v4 =	vadd.s32 @p1 $0xF, v4;
	v5, v6, _ =	vpop @p1 (xrf1)  }
0x3b: {  	v5 =	vperm.xlane @p1 v5, v4  }
0x3c: {  	v4 =	vperm.xlane @p1 v6, v4  }
0x3d: {  	vm0 =	vlt.f32 @p1 v5, v1  }
0x3e: {  	v5 =	vsel @p1 vm0, v5, v1;
	v4 =	vsel @p1 vm0, v4, v2  }
0x3f: {  	(xrf1) =	vsort.ascd.msk.f32 @p1 $0xffff, v5, v4;
	_ =	sdelay $0x7  }
.Ltmp0:
0x40: {  	(pc) =	sbr.rel @p0 .LBB2_3-.Ltmp0, $2  }
0x41: {  	_ =	sdelay $0x2  }
0x42: {  	s18 =	sadd.s32 $0x10, s18  }
0x43: {  	s17 =	sor.u32 $0x1, s17  }
0x44: {  	s18 =	sor.u32 s4, s17  }
0x45: {  	s19 =	sshll.u32 s16, $0x5;
	v1, v3, _ =	vpop @p1 (xrf1);
	s18 =	smin.u32 s18, $0xFFE  }
0x46: {  	s19 =	sand.u32 $0x3FFFFFE0, s19;
	v1 =	vpsel p1, v3, v2;
	s18 =	sadd.s32 $0x1, s18  }
0x47: {  	s30 =	simm.s32 $0x4000;
	[tilespmem:s19+$0x8000] =	vst v1;
	s29 =	sshll.u32 s18, $0x4  }
0x48: {  	_ =	swait.ge [sflag:s12], $0x4000;
	s18 =	sshll.u32 s18, $0xB;
	s19 =	sand.u32 $0x70, s29  }
0x49: {  	[sflag:s12] =	ssyncset.done $0x0;
	s18 =	sand.u32 $0xFFC000, s18;
	s19 =	sadd.s32 s3, s19  }
0x4a: {  	[sflag:s12] =	ssyncadd.s32 $0xFFFFC000;
	s18 =	sadd.s32 s18, s19;
	s19 =	simm.s32 $0x0  }
0x4b: {  	[tilespmem:s19], [sflag:$0x1] =	stream.strided.gather [hbm4b:s18+s8], $0x4000, s9, s8, $0x38;
	[tilespmem:$0x8800] =	vst v63  }
0x4c: {  	v2 =	vld [tilespmem:s30+$0x0];
	_ =	sdelay $0x3  }
0x4d: {  	v1 =	vimm.f32 $+Inf  }
0x4e: {  	vm0 =	vlt.f32 v2, v1  }
0x4f: {  	v3 =	vsel vm0, $0x3F800000, v0  }
0x50: {  	(xrf0) =	vmax.scan.msk.f32 $0xffff, v3;
	_ =	sdelay $0x5  }
0x51: {  	v3, _, _ =	vpop (xrf0)  }
0x52: {  	(v2sf) =	vpush v3, $0xF;
	_ =	sdelay $0xe  }
0x53: {  	s31 =	spop (v2sf)  }
0x54: {  	p1 =	sgt.f32 s31, $0.0e+00;
	_ =	sdelay $0x1  }
0x55: {  	v3 =	vlaneseq.u32 @p1  }
0x56: {  	v4 =	vor.u32 @p1 s19, v3  }
0x57: {  	(xrf1) =	vsort.ascd.msk.f32 @p1 $0xffff, v2, v4;
	_ =	sdelay $0xb  }
0x58: {  	v2 =	vmul.u32 @p1 $0xFFFFFFFF, v3;
	_ =	sdelay $0x1  }
0x59: {  	v2 =	vadd.s32 @p1 $0xF, v2;
	v3, v4, _ =	vpop @p1 (xrf1)  }
0x5a: {  	v3 =	vperm.xlane @p1 v3, v2  }
0x5b: {  	v4 =	vperm.xlane @p1 v4, v2  }
0x5c: {  	v2 =	vimm.s32 $0x0;
	vm0 =	vlt.f32 @p1 v3, v1  }
0x5d: {  	v3 =	vsel @p1 vm0, v3, v1;
	v4 =	vsel @p1 vm0, v4, v2  }
0x5e: {  	(xrf1) =	vsort.ascd.msk.f32 @p1 $0xffff, v3, v4;
	_ =	sdelay $0xb  }
0x5f: {  	s18 =	simm.s32 $0x10;
	s19 =	simm.s32 $0x4010;
	v3 =	vimm.f32 $+Inf  }
.LBB2_5:
0x60: {  	v4 =	vld [tilespmem:s19+$0x0];
	s20 =	smov.u32 s18;
	s18 =	sadd.s32 $0x10, s18  }
0x61: {  	v5 =	vimm.s32 @p1 $0xF;
	p0 =	sne.s32 s18, $0x4000;
	v6, v7, _ =	vpop @p1 (xrf1)  }
0x62: {  	v5 =	vperm.xlane @p1 v6, v5;
	v1 =	vpsel p1, v6, v1;
	v2 =	vpsel p1, v7, v2;
	_ =	sdelay $0x1  }
0x63: {  	v3 =	vpsel p1, v5, v3  }
0x64: {  	vm0 =	vlt.f32 v4, v3  }
0x65: {  	v5 =	vsel vm0, $0x3F800000, v0  }
0x66: {  	(xrf0) =	vmax.scan.msk.f32 $0xffff, v5;
	_ =	sdelay $0x5  }
0x67: {  	v5, _, _ =	vpop (xrf0)  }
0x68: {  	(v2sf) =	vpush v5, $0xF;
	_ =	sdelay $0xe  }
0x69: {  	s21 =	spop (v2sf)  }
0x6a: {  	p1 =	sgt.f32 s21, $0.0e+00;
	_ =	sdelay $0x1  }
0x6b: {  	v5 =	vlaneseq.u32 @p1  }
0x6c: {  	v6 =	vor.u32 @p1 s20, v5  }
0x6d: {  	(xrf1) =	vsort.ascd.msk.f32 @p1 $0xffff, v4, v6;
	_ =	sdelay $0xb  }
0x6e: {  	v4 =	vmul.u32 @p1 $0xFFFFFFFF, v5;
	_ =	sdelay $0x1  }
0x6f: {  	v4 =	vadd.s32 @p1 $0xF, v4;
	v5, v6, _ =	vpop @p1 (xrf1)  }
0x70: {  	v5 =	vperm.xlane @p1 v5, v4  }
0x71: {  	v4 =	vperm.xlane @p1 v6, v4  }
0x72: {  	vm0 =	vlt.f32 @p1 v5, v1  }
0x73: {  	v5 =	vsel @p1 vm0, v5, v1;
	v4 =	vsel @p1 vm0, v4, v2  }
0x74: {  	(xrf1) =	vsort.ascd.msk.f32 @p1 $0xffff, v5, v4;
	_ =	sdelay $0x7  }
.Ltmp1:
0x75: {  	(pc) =	sbr.rel @p0 .LBB2_5-.Ltmp1, $2  }
0x76: {  	_ =	sdelay $0x2  }
0x77: {  	s19 =	sadd.s32 $0x10, s19  }
0x78: {  	s16 =	sadd.s32 $0x1, s16  }
0x79: {  	p0 =	sne.s32 s16, $0x40  }
.Ltmp2:
0x7a: {  	_ = 	snop;
	(pc) =	sbr.rel @p0 .LBB2_2-.Ltmp2, $4  }
0x7b: {  	_ = 	snop  }
0x7c: {  	s17 =	sshll.u32 s17, $0x4;
	v1, v3, _ =	vpop @p1 (xrf1)  }
0x7d: {  	s17 =	sand.u32 $0x3FFFFFF0, s17;
	v1 =	vpsel p1, v3, v2  }
0x7e: {  	[tilespmem:s17+$0x8000] =	vst v1  }
0x7f: {  	_ =	swait.ge [sflag:s10], $0x4000;
	s15 =	sadd.s32 $0x1, s15  }
0x80: {  	[sflag:s10] =	ssyncset.done $0x0;
	p0 =	sne.s32 s15, s7  }
.Ltmp3:
0x81: {  	[sflag:s10] =	ssyncadd.s32 $0xFFFFC000;
	(pc) =	sbr.rel @p0 .LBB2_1-.Ltmp3, $4  }
0x82: {  	[hbm4b:s6+s2] =	stream.linear.scatter [tilespmem:s13], [sflag:$0x3], $0x800, $0x38;
	[tilespmem:$0x8800] =	vst v63  }
0x83: {  	_ =	swait.ge [sflag:s14], $0x800  }
0x84: {  	[sflag:s14] =	ssyncset.done $0x0  }
0x85: {  	[sflag:s14] =	ssyncadd.s32 $0xFFFFF800  }
0x86: {  	_ =	sfence.sel $0x180000  }
0x87: {  	[bflag:$0x0] =	sbarrier.arrive $0xFFFF  }
0x88: {  	p0 =	sne.s32 s1, $0x0;
	_ =	strace $0x90000047  }
0x89: {  	s0 =	sadd.s32 @!p0 $0x100000, s0;
	[bflag:$0x2] =	sbarrier.arrive $0xFFFF  }
0x8a: {  	[sflag:s0] =	ssyncadd.tile.s32 @!p0 $0x1;
	_ =	shalt  }
.Lfunc_end2:
_tile_overlayer_lowered:
.L_overlay_start_2:
0x8b: {  	(tag) =	ssettag $0x2  }
0x8c: {  	s0 =	rddreg [dreg:$0x0];
	s2 =	stileid.u32  }
0x8d: {  	s1 =	rddreg [dreg:$0x1];
	p0 =	sne.s32 s2, $0x0  }
0x8e: {  	s3 =	rddreg [dreg:$0x2];
	[bflag:$0x3] =	sbarrier.arrive $0xFFFF;
	s2 =	simm.s32 @!p0 $0x1C03  }
0x8f: {  	[timem:s3], [sflag:s2] =	dma.local @!p0 [hbm:s0], s1  }
0x90: {  	s0 =	simm.s32 @!p0 $0x3  }
0x91: {  	_ =	swait.ge @!p0 [sflag:s0], s1  }
0x92: {  	s1 =	ssub.s32 @!p0 $0x0, s1;
	[sflag:s0] =	ssyncset.done @!p0 $0x0  }
0x93: {  	[sflag:s0] =	ssyncadd.s32 @!p0 s1  }
0x94: {  	[bflag:$0x3] =	sbarrier.arrive $0xFFFF  }
0x95: {  	_ =	shalt  }

</sc_bundles>
